<compile_context>
chip_gen: v7x
topology: tpu7x:2x2x1
jax: 0.10.2.dev20260603
libtpu: 0.0.44.dev20260713+nightly
codegen_flags: <defaults>
</compile_context>

<pallas_src>
import functools

import jax
import jax.numpy as jnp
from jax import lax
from jax.experimental import pallas as pl
from jax.experimental.pallas import tpu as pltpu
from jax.experimental.pallas import tpu_sc as plsc

N = 10000
DZ = -0.0106666666666666
DT = 0.01

NC = 2
NS = 16
NW = NC * NS
CH = 128
NP = N + 112
ROWS_PER_SUB = NP // NS


def _prep_kernel(x_ref, ids_ref, o_ref):
    x = x_ref[...]
    ids = ids_ref[...]
    xb = jnp.concatenate(
        [x[:, 0:2], x[:, 2:3] - ids * jnp.float32(DZ), x[:, 3:6], ids,
         jnp.zeros((x.shape[0], 9), jnp.float32)], axis=1)
    o_ref[...] = jnp.concatenate(
        [xb, jnp.zeros((16, 16), jnp.float32)], axis=0)


def _gather_kernel(K0, K1, xp_hbm, send_hbm, recv_hbm, rout_hbm, sout_hbm,
                   sidxs, ridxs, sbufs, rbufs, gsems, wsems):
    c = lax.axis_index("c")
    s = lax.axis_index("s")
    kc = jnp.where(c == 0, K0, K1)
    start = jnp.where(c == 0, s * K0, NS * K0 + s * K1)
    pltpu.sync_copy(send_hbm.at[pl.ds(start, K1)], sidxs)
    pltpu.sync_copy(recv_hbm.at[pl.ds(start, K1)], ridxs)

    def gath(k, b):
        pltpu.async_copy(xp_hbm.at[sidxs.at[k]], sbufs[b], gsems[2 * b])
        pltpu.async_copy(xp_hbm.at[ridxs.at[k]], rbufs[b], gsems[2 * b + 1])

    def wait_g(b):
        pltpu.make_async_copy(xp_hbm.at[sidxs.at[0]], sbufs[b],
                              gsems[2 * b]).wait()
        pltpu.make_async_copy(xp_hbm.at[ridxs.at[0]], rbufs[b],
                              gsems[2 * b + 1]).wait()

    def write(k, b):
        off = (start + k) * CH
        pltpu.async_copy(rbufs[b], rout_hbm.at[pl.ds(off, CH)], wsems[2 * b])
        pltpu.async_copy(sbufs[b], sout_hbm.at[pl.ds(off, CH)],
                         wsems[2 * b + 1])

    def wait_w(b):
        pltpu.make_async_copy(rbufs[b], rout_hbm.at[pl.ds(0, CH)],
                              wsems[2 * b]).wait()
        pltpu.make_async_copy(sbufs[b], sout_hbm.at[pl.ds(0, CH)],
                              wsems[2 * b + 1]).wait()

    gath(0, 0)
    gath(1, 1)

    def body(j, _):
        k0 = j * 4
        for b in range(4):
            k = k0 + b
            wait_g(b)
            write(k, b)
            nb = (b + 2) % 4
            nk = k + 2

            @pl.when(nk < kc)
            def _():
                @pl.when(nk >= 4)
                def _():
                    wait_w(nb)
                gath(nk, nb)
        return 0

    lax.fori_loop(0, kc // 4, body, 0)
    for b in range(4):
        wait_w(b)


def _edge_mlp_kernel(r_ref, s_ref, w0, b0, w1, b1, w2, b2, w3, b3, o_ref):
    d = r_ref[...] - s_ref[...]
    h = jnp.concatenate(
        [jnp.dot(d[:, 16 * q:16 * q + 16], w0[...],
                 preferred_element_type=jnp.float32) for q in range(8)],
        axis=0)
    h = jnp.maximum(h + b0[...], 0.0)
    h = jnp.dot(h, w1[...], preferred_element_type=jnp.float32)
    h = jnp.maximum(h + b1[...], 0.0)
    h = jnp.dot(h, w2[...], preferred_element_type=jnp.float32)
    h = jnp.maximum(h + b2[...], 0.0)
    h = jnp.dot(h, w3[...], preferred_element_type=jnp.float32)
    o_ref[...] = h + b3[...]


def _scatter_kernel(K, marsh_hbm, recv_hbm, zeros_hbm, out_hbm,
                    shared, idxs, mbufs, lsems, asems):
    c = lax.axis_index("c")
    s = lax.axis_index("s")
    wid = s * NC + c
    r0 = s * ROWS_PER_SUB
    pltpu.sync_copy(zeros_hbm, shared.at[pl.ds(r0, ROWS_PER_SUB)])
    pltpu.sync_copy(recv_hbm.at[pl.ds(wid * K, K)], idxs)
    plsc.subcore_barrier()

    def load(k, b):
        pltpu.async_copy(marsh_hbm.at[pl.ds((wid * K + k) * CH, CH)],
                         mbufs[b], lsems[b])

    def wait_l(b):
        pltpu.make_async_copy(marsh_hbm.at[pl.ds(0, CH)], mbufs[b],
                              lsems[b]).wait()

    def add(k, b):
        pltpu.async_copy(mbufs[b], shared.at[idxs.at[k]], asems[b], add=True)

    def wait_a(b):
        pltpu.make_async_copy(mbufs[b], shared.at[idxs.at[0]],
                              asems[b]).wait()

    load(0, 0)
    load(1, 1)

    def body(j, _):
        k0 = j * 2
        for b in range(2):
            k = k0 + b
            wait_l(b)
            add(k, b)

            @pl.when(k + 2 < K)
            def _():
                wait_a(b)
                load(k + 2, b)
        return 0

    lax.fori_loop(0, K // 2, body, 0)
    wait_a(0)
    wait_a(1)
    plsc.subcore_barrier()
    pltpu.sync_copy(shared.at[pl.ds(r0, ROWS_PER_SUB)],
                    out_hbm.at[c, pl.ds(r0, ROWS_PER_SUB)])


def _node_mlp_kernel(x_ref, ids_ref, p0_ref, p1_ref,
                     w0a, w0b, b0, w1, b1, w2, b2, w3, b3, o_ref):
    x = x_ref[...]
    ids = ids_ref[...]
    rest = jnp.concatenate(
        [jnp.zeros_like(ids), jnp.zeros_like(ids), ids * jnp.float32(DZ),
         jnp.zeros_like(ids), jnp.zeros_like(ids), jnp.zeros_like(ids)],
        axis=1)
    xb = jnp.concatenate([x - rest, ids, jnp.zeros_like(ids)], axis=1)
    aggr = p0_ref[...] + p1_ref[...]
    h = (jnp.dot(xb, w0a[...], preferred_element_type=jnp.float32)
         + jnp.dot(aggr, w0b[...], preferred_element_type=jnp.float32))
    h = jnp.maximum(h + b0[...], 0.0)
    h = jnp.dot(h, w1[...], preferred_element_type=jnp.float32)
    h = jnp.maximum(h + b1[...], 0.0)
    h = jnp.dot(h, w2[...], preferred_element_type=jnp.float32)
    h = jnp.maximum(h + b2[...], 0.0)
    d8 = jnp.dot(h, w3[...], preferred_element_type=jnp.float32) + b3[...]
    v = x[:, 3:6] + d8[:, 0:3]
    xn = x[:, 0:3] + v * jnp.float32(DT)
    o_ref[...] = jnp.concatenate([xn, v, jnp.zeros_like(v[:, 0:2])], axis=1)


def kernel(x, ids, edge_index, eW0, eb0, eW1, eb1, eW2, eb2, eW3, eb3,
           nW0, nb0, nW1, nb1, nW2, nb2, nW3, nb3):
    E = edge_index.shape[1]
    K = -(-E // (NW * CH))
    K = -(-K // 8) * 8
    E_pad = NW * CH * K

    send = edge_index[0]
    recv = edge_index[1]
    pad = jnp.full((E_pad - E,), N, jnp.int32)
    send_p = jnp.concatenate([send, pad]).reshape(NW * K, CH)
    recv_p = jnp.concatenate([recv, pad])

    xp = pl.pallas_call(
        _prep_kernel,
        out_shape=jax.ShapeDtypeStruct((N + 16, 16), jnp.float32),
    )(x, ids)

    mesh = plsc.VectorSubcoreMesh(core_axis_name="c", subcore_axis_name="s",
                                  num_cores=NC, num_subcores=NS)
    KT = 2 * K
    K0 = max(4, (int(0.30 * KT) // 4) * 4)
    K1 = KT - K0
    gather = functools.partial(
        pl.kernel,
        out_type=[jax.ShapeDtypeStruct((E_pad, 16), jnp.float32),
                  jax.ShapeDtypeStruct((E_pad, 16), jnp.float32)],
        mesh=mesh,
        compiler_params=pltpu.CompilerParams(use_tc_tiling_on_sc=False),
        scratch_types=[
            pltpu.VMEM((K1, CH), jnp.int32),
            pltpu.VMEM((K1, CH), jnp.int32),
            [pltpu.VMEM((CH, 16), jnp.float32) for _ in range(4)],
            [pltpu.VMEM((CH, 16), jnp.float32) for _ in range(4)],
            [pltpu.SemaphoreType.DMA for _ in range(8)],
            [pltpu.SemaphoreType.DMA for _ in range(8)],
        ],
    )(functools.partial(_gather_kernel, K0, K1))
    rout, sout = gather(xp, send_p, recv_p.reshape(NW * K, CH))
    rplane = rout.reshape(E_pad // 8, 128)
    splane = sout.reshape(E_pad // 8, 128)

    eW0eff = jnp.pad(eW0, ((0, 9), (0, 0)))

    BE = 4096
    grid = E_pad // BE
    marsh = pl.pallas_call(
        _edge_mlp_kernel,
        grid=(grid,),
        in_specs=[
            pl.BlockSpec((BE // 8, 128), lambda i: (i, 0)),
            pl.BlockSpec((BE // 8, 128), lambda i: (i, 0)),
            pl.BlockSpec((16, 128), lambda i: (0, 0)),
            pl.BlockSpec((1, 128), lambda i: (0, 0)),
            pl.BlockSpec((128, 128), lambda i: (0, 0)),
            pl.BlockSpec((1, 128), lambda i: (0, 0)),
            pl.BlockSpec((128, 128), lambda i: (0, 0)),
            pl.BlockSpec((1, 128), lambda i: (0, 0)),
            pl.BlockSpec((128, 128), lambda i: (0, 0)),
            pl.BlockSpec((1, 128), lambda i: (0, 0)),
        ],
        out_specs=pl.BlockSpec((BE, 128), lambda i: (i, 0)),
        out_shape=jax.ShapeDtypeStruct((E_pad, 128), jnp.float32),
    )(rplane, splane, eW0eff, eb0.reshape(1, 128), eW1, eb1.reshape(1, 128),
      eW2, eb2.reshape(1, 128), eW3, eb3.reshape(1, 128))

    recv_perm = recv_p.reshape(E_pad // BE, BE // 8, 8)
    recv_perm = recv_perm.transpose(0, 2, 1).reshape(NW * K, CH)
    zeros_rows = jnp.zeros((ROWS_PER_SUB, 128), jnp.float32)
    scatter = functools.partial(
        pl.kernel,
        out_type=jax.ShapeDtypeStruct((NC, NP, 128), jnp.float32),
        mesh=mesh,
        scratch_types=[
            pltpu.VMEM_SHARED((NP, 128), jnp.float32),
            pltpu.VMEM((K, CH), jnp.int32),
            [pltpu.VMEM((CH, 128), jnp.float32) for _ in range(2)],
            [pltpu.SemaphoreType.DMA for _ in range(2)],
            [pltpu.SemaphoreType.DMA for _ in range(2)],
        ],
    )(functools.partial(_scatter_kernel, K))
    partials = scatter(marsh, recv_perm, zeros_rows)

    BN = 2000
    p0 = partials[0, :N]
    p1 = partials[1, :N]
    nW0a = jnp.pad(nW0[:7], ((0, 1), (0, 0)))
    nW0b = nW0[7:]
    nW3p = jnp.pad(nW3, ((0, 0), (0, 5)))
    nb3p = jnp.pad(nb3, ((0, 5),)).reshape(1, 8)
    out8 = pl.pallas_call(
        _node_mlp_kernel,
        grid=(N // BN,),
        in_specs=[
            pl.BlockSpec((BN, 6), lambda i: (i, 0)),
            pl.BlockSpec((BN, 1), lambda i: (i, 0)),
            pl.BlockSpec((BN, 128), lambda i: (i, 0)),
            pl.BlockSpec((BN, 128), lambda i: (i, 0)),
            pl.BlockSpec((8, 128), lambda i: (0, 0)),
            pl.BlockSpec((128, 128), lambda i: (0, 0)),
            pl.BlockSpec((1, 128), lambda i: (0, 0)),
            pl.BlockSpec((128, 128), lambda i: (0, 0)),
            pl.BlockSpec((1, 128), lambda i: (0, 0)),
            pl.BlockSpec((128, 128), lambda i: (0, 0)),
            pl.BlockSpec((1, 128), lambda i: (0, 0)),
            pl.BlockSpec((128, 8), lambda i: (0, 0)),
            pl.BlockSpec((1, 8), lambda i: (0, 0)),
        ],
        out_specs=pl.BlockSpec((BN, 8), lambda i: (i, 0)),
        out_shape=jax.ShapeDtypeStruct((N, 8), jnp.float32),
    )(x, ids, p0, p1, nW0a, nW0b, nb0.reshape(1, 128),
      nW1, nb1.reshape(1, 128), nW2, nb2.reshape(1, 128), nW3p, nb3p)
    return out8[:, :6]

# --- scband reference (transcript-rebuilt; emitter-appended) ---
"""Pipeline reference for scband-trunk-gnn-23364622090553 (READ-ONLY COPY).

The authoritative reference and input builder live on the scoring server;
editing this copy changes nothing except your own understanding.
"""

import jax, jax.numpy as jnp
import numpy as np

N = 10000
E = 320000
DZ = -0.0106666666666666
DT = 0.01

def _mlp(x, params):
    n = len(params)
    for i, (W, b) in enumerate(params):
        x = x @ W + b
        if i < n - 1:
            x = jax.nn.relu(x)
    return x

def setup_inputs(seed: int = 0):
    key = jax.random.key(seed)
    ks = jax.random.split(key, 24)
    def lin(k, fin, fout):
        return jax.random.normal(k, (fin, fout), jnp.float32) / np.sqrt(fin)
    inp = {}
    inp["x"] = jax.random.normal(ks[0], (N, 6), jnp.float32)
    inp["ids"] = jnp.arange(N, dtype=jnp.float32).reshape(N, 1)
    inp["edge_index"] = jax.random.randint(ks[1], (2, E), 0, N, dtype=jnp.int32)
    dims_e = [(7, 128), (128, 128), (128, 128), (128, 128)]
    dims_n = [(135, 128), (128, 128), (128, 128), (128, 3)]
    for i, (fi, fo) in enumerate(dims_e):
        inp["eW%d" % i] = lin(ks[2 + i], fi, fo)
        inp["eb%d" % i] = jnp.zeros((fo,), jnp.float32)
    for i, (fi, fo) in enumerate(dims_n):
        inp["nW%d" % i] = lin(ks[8 + i], fi, fo)
        inp["nb%d" % i] = jnp.zeros((fo,), jnp.float32)
    return inp

def reference(x, ids, edge_index, eW0, eb0, eW1, eb1, eW2, eb2, eW3, eb3, nW0, nb0, nW1, nb1, nW2, nb2, nW3, nb3):
    edge_p = [(eW0, eb0), (eW1, eb1), (eW2, eb2), (eW3, eb3)]
    node_p = [(nW0, nb0), (nW1, nb1), (nW2, nb2), (nW3, nb3)]
    ids_int = ids.flatten().astype(jnp.int32)
    rest_unit = jnp.array([0.0, 0.0, DZ, 0.0, 0.0, 0.0], jnp.float32)
    x_rest = jnp.arange(N, dtype=jnp.float32).reshape(-1, 1) * rest_unit.reshape(1, -1)
    # use_resting_state=True
    x_bar = x - x_rest[ids_int]
    # use_ids=True
    x_bar = jnp.concatenate([x_bar, ids], axis=1)
    # GNNBlock.update_edges
    sender = edge_index[0]
    receiver = edge_index[1]
    diff = x_bar[receiver] - x_bar[sender]
    marsh = _mlp(diff, edge_p)
    # propagate with aggr='sum', flow source_to_target: aggregate messages at receiver
    aggr = jax.ops.segment_sum(marsh, receiver, num_segments=N)
    # GNNBlock.update (use_velocity_only=False, use_edge_mlp=True)
    x_large = jnp.concatenate([x_bar, aggr], axis=1)
    dv = _mlp(x_large, node_p)
    v_new = x[:, 3:] + dv
    x_new = x[:, :3] + v_new * DT
    return jnp.concatenate([x_new, v_new], axis=1)

if __name__ == "__main__":
    import jax
    _d = setup_inputs()
    print(jax.jit(kernel)(*tuple(_d.values())))

</pallas_src>

<mosaic_0001>
#map = affine_map<(d0, d1) -> (0, 0)>
module attributes {stable_mosaic.version = 14 : i64} {
  func.func @_gather_kernel(%arg0: i32, %arg1: i32, %arg2: memref<10016x16xf32, #tpu.memory_space<hbm>>, %arg3: memref<2560x128xi32, #tpu.memory_space<hbm>>, %arg4: memref<2560x128xi32, #tpu.memory_space<hbm>>, %arg5: memref<327680x16xf32, #tpu.memory_space<hbm>>, %arg6: memref<327680x16xf32, #tpu.memory_space<hbm>>, %arg7: memref<112x128xi32, #tpu.memory_space<vmem>>, %arg8: memref<112x128xi32, #tpu.memory_space<vmem>>, %arg9: memref<128x16xf32, #tpu.memory_space<vmem>>, %arg10: memref<128x16xf32, #tpu.memory_space<vmem>>, %arg11: memref<128x16xf32, #tpu.memory_space<vmem>>, %arg12: memref<128x16xf32, #tpu.memory_space<vmem>>, %arg13: memref<128x16xf32, #tpu.memory_space<vmem>>, %arg14: memref<128x16xf32, #tpu.memory_space<vmem>>, %arg15: memref<128x16xf32, #tpu.memory_space<vmem>>, %arg16: memref<128x16xf32, #tpu.memory_space<vmem>>, %arg17: memref<!tpu.dma_semaphore, #tpu.memory_space<semaphore_mem>>, %arg18: memref<!tpu.dma_semaphore, #tpu.memory_space<semaphore_mem>>, %arg19: memref<!tpu.dma_semaphore, #tpu.memory_space<semaphore_mem>>, %arg20: memref<!tpu.dma_semaphore, #tpu.memory_space<semaphore_mem>>, %arg21: memref<!tpu.dma_semaphore, #tpu.memory_space<semaphore_mem>>, %arg22: memref<!tpu.dma_semaphore, #tpu.memory_space<semaphore_mem>>, %arg23: memref<!tpu.dma_semaphore, #tpu.memory_space<semaphore_mem>>, %arg24: memref<!tpu.dma_semaphore, #tpu.memory_space<semaphore_mem>>, %arg25: memref<!tpu.dma_semaphore, #tpu.memory_space<semaphore_mem>>, %arg26: memref<!tpu.dma_semaphore, #tpu.memory_space<semaphore_mem>>, %arg27: memref<!tpu.dma_semaphore, #tpu.memory_space<semaphore_mem>>, %arg28: memref<!tpu.dma_semaphore, #tpu.memory_space<semaphore_mem>>, %arg29: memref<!tpu.dma_semaphore, #tpu.memory_space<semaphore_mem>>, %arg30: memref<!tpu.dma_semaphore, #tpu.memory_space<semaphore_mem>>, %arg31: memref<!tpu.dma_semaphore, #tpu.memory_space<semaphore_mem>>, %arg32: memref<!tpu.dma_semaphore, #tpu.memory_space<semaphore_mem>>) attributes {dimension_semantics = [#tpu.dimension_semantics<core_parallel>, #tpu.dimension_semantics<subcore_parallel>], iteration_bounds = array<i64: 2, 16>, scalar_prefetch = 0 : i64, scratch_operands = 26 : i64, tpu.core_type = #tpu.core_type<sc_vector_subcore>, window_params = [{transform_indices = #map}, {transform_indices = #map}, {transform_indices = #map}, {transform_indices = #map}, {transform_indices = #map}]} {
    %eq3A = arith.constant 0 : i32
    %eq3A_0 = arith.cmpi eq, %arg0, %eq3A : i32
    %jit3A = arith.constant 48 : i32
    %jit3A_1 = arith.constant 112 : i32
    %select_n3A = arith.select %eq3A_0, %jit3A, %jit3A_1 : i32
    %eq3A_2 = arith.constant 0 : i32
    %eq3A_3 = arith.cmpi eq, %arg0, %eq3A_2 : i32
    %mul3A = arith.constant 48 : i32
    %mul3A_4 = arith.muli %arg1, %mul3A : i32
    %mul3A_5 = arith.constant 112 : i32
    %mul3A_6 = arith.muli %arg1, %mul3A_5 : i32
    %add3A = arith.constant 768 : i32
    %add3A_7 = arith.addi %add3A, %mul3A_6 : i32
    %select_n3A_8 = arith.select %eq3A_3, %mul3A_4, %add3A_7 : i32
    "tpu.region"() ({
      %run_scoped3A = tpu.sem_alloc : memref<!tpu.dma_semaphore, #tpu.memory_space<semaphore_mem>>
      %dma_start3A_112 = arith.constant 0 : i32
      %dma_start3A_113 = tpu.memref_slice %arg3[%select_n3A_8, %dma_start3A_112] : memref<2560x128xi32, #tpu.memory_space<hbm>> -> memref<112x128xi32, #tpu.memory_space<hbm>>
      %dma_start3A_114 = arith.constant 0 : i32
      %dma_start3A_115 = tpu.memref_slice %arg3[%select_n3A_8, %dma_start3A_114] : memref<2560x128xi32, #tpu.memory_space<hbm>> -> memref<112x128xi32, #tpu.memory_space<hbm>>
      tpu.enqueue_dma source(%dma_start3A_115 : memref<112x128xi32, #tpu.memory_space<hbm>>) target(%arg7 : memref<112x128xi32, #tpu.memory_space<vmem>>) target_semaphore(%run_scoped3A : memref<!tpu.dma_semaphore, #tpu.memory_space<semaphore_mem>>)
      %dma_wait3A_116 = arith.constant 0 : i32
      %dma_wait3A_117 = tpu.memref_slice %arg3[%select_n3A_8, %dma_wait3A_116] : memref<2560x128xi32, #tpu.memory_space<hbm>> -> memref<112x128xi32, #tpu.memory_space<hbm>>
      %dma_wait3A_118 = arith.constant 0 : i32
      %dma_wait3A_119 = tpu.memref_slice %arg3[%select_n3A_8, %dma_wait3A_118] : memref<2560x128xi32, #tpu.memory_space<hbm>> -> memref<112x128xi32, #tpu.memory_space<hbm>>
      tpu.wait_dma2 semaphore(%run_scoped3A : memref<!tpu.dma_semaphore, #tpu.memory_space<semaphore_mem>>) src(%dma_wait3A_119 : memref<112x128xi32, #tpu.memory_space<hbm>>) dst(%arg7 : memref<112x128xi32, #tpu.memory_space<vmem>>)
      tpu.yield
    }) : () -> ()
    "tpu.region"() ({
      %run_scoped3A = tpu.sem_alloc : memref<!tpu.dma_semaphore, #tpu.memory_space<semaphore_mem>>
      %dma_start3A_112 = arith.constant 0 : i32
      %dma_start3A_113 = tpu.memref_slice %arg4[%select_n3A_8, %dma_start3A_112] : memref<2560x128xi32, #tpu.memory_space<hbm>> -> memref<112x128xi32, #tpu.memory_space<hbm>>
      %dma_start3A_114 = arith.constant 0 : i32
      %dma_start3A_115 = tpu.memref_slice %arg4[%select_n3A_8, %dma_start3A_114] : memref<2560x128xi32, #tpu.memory_space<hbm>> -> memref<112x128xi32, #tpu.memory_space<hbm>>
      tpu.enqueue_dma source(%dma_start3A_115 : memref<112x128xi32, #tpu.memory_space<hbm>>) target(%arg8 : memref<112x128xi32, #tpu.memory_space<vmem>>) target_semaphore(%run_scoped3A : memref<!tpu.dma_semaphore, #tpu.memory_space<semaphore_mem>>)
      %dma_wait3A_116 = arith.constant 0 : i32
      %dma_wait3A_117 = tpu.memref_slice %arg4[%select_n3A_8, %dma_wait3A_116] : memref<2560x128xi32, #tpu.memory_space<hbm>> -> memref<112x128xi32, #tpu.memory_space<hbm>>
      %dma_wait3A_118 = arith.constant 0 : i32
      %dma_wait3A_119 = tpu.memref_slice %arg4[%select_n3A_8, %dma_wait3A_118] : memref<2560x128xi32, #tpu.memory_space<hbm>> -> memref<112x128xi32, #tpu.memory_space<hbm>>
      tpu.wait_dma2 semaphore(%run_scoped3A : memref<!tpu.dma_semaphore, #tpu.memory_space<semaphore_mem>>) src(%dma_wait3A_119 : memref<112x128xi32, #tpu.memory_space<hbm>>) dst(%arg8 : memref<112x128xi32, #tpu.memory_space<vmem>>)
      tpu.yield
    }) : () -> ()
    %dma_start3A = arith.constant 0 : i32
    %dma_start3A_9 = arith.constant 0 : i32
    %dma_start3A_10 = tpu.memref_slice %arg7[%dma_start3A, %dma_start3A_9] : memref<112x128xi32, #tpu.memory_space<vmem>> -> memref<1x128xi32, #tpu.memory_space<vmem>>
    %dma_start3A_11 = tpu.memref_squeeze %dma_start3A_10 : memref<1x128xi32, #tpu.memory_space<vmem>> -> memref<128xi32, #tpu.memory_space<vmem>>
    %dma_start3A_12 = arith.constant 0 : i32
    %dma_start3A_13 = arith.constant 0 : i32
    %dma_start3A_14 = tpu.memref_slice %arg2[%dma_start3A_12, %dma_start3A_13] : memref<10016x16xf32, #tpu.memory_space<hbm>> -> memref<10016x16xf32, #tpu.memory_space<hbm>>
    tpu.enqueue_indirect_dma source(%dma_start3A_14 : memref<10016x16xf32, #tpu.memory_space<hbm>>) target(%arg9 : memref<128x16xf32, #tpu.memory_space<vmem>>) offsets(%dma_start3A_11 : memref<128xi32, #tpu.memory_space<vmem>>) semaphore(%arg17 : memref<!tpu.dma_semaphore, #tpu.memory_space<semaphore_mem>>)
    %dma_start3A_15 = arith.constant 0 : i32
    %dma_start3A_16 = arith.constant 0 : i32
    %dma_start3A_17 = tpu.memref_slice %arg8[%dma_start3A_15, %dma_start3A_16] : memref<112x128xi32, #tpu.memory_space<vmem>> -> memref<1x128xi32, #tpu.memory_space<vmem>>
    %dma_start3A_18 = tpu.memref_squeeze %dma_start3A_17 : memref<1x128xi32, #tpu.memory_space<vmem>> -> memref<128xi32, #tpu.memory_space<vmem>>
    %dma_start3A_19 = arith.constant 0 : i32
    %dma_start3A_20 = arith.constant 0 : i32
    %dma_start3A_21 = tpu.memref_slice %arg2[%dma_start3A_19, %dma_start3A_20] : memref<10016x16xf32, #tpu.memory_space<hbm>> -> memref<10016x16xf32, #tpu.memory_space<hbm>>
    tpu.enqueue_indirect_dma source(%dma_start3A_21 : memref<10016x16xf32, #tpu.memory_space<hbm>>) target(%arg13 : memref<128x16xf32, #tpu.memory_space<vmem>>) offsets(%dma_start3A_18 : memref<128xi32, #tpu.memory_space<vmem>>) semaphore(%arg18 : memref<!tpu.dma_semaphore, #tpu.memory_space<semaphore_mem>>)
    %dma_start3A_22 = arith.constant 1 : i32
    %dma_start3A_23 = arith.constant 0 : i32
    %dma_start3A_24 = tpu.memref_slice %arg7[%dma_start3A_22, %dma_start3A_23] : memref<112x128xi32, #tpu.memory_space<vmem>> -> memref<1x128xi32, #tpu.memory_space<vmem>>
    %dma_start3A_25 = tpu.memref_squeeze %dma_start3A_24 : memref<1x128xi32, #tpu.memory_space<vmem>> -> memref<128xi32, #tpu.memory_space<vmem>>
    %dma_start3A_26 = arith.constant 0 : i32
    %dma_start3A_27 = arith.constant 0 : i32
    %dma_start3A_28 = tpu.memref_slice %arg2[%dma_start3A_26, %dma_start3A_27] : memref<10016x16xf32, #tpu.memory_space<hbm>> -> memref<10016x16xf32, #tpu.memory_space<hbm>>
    tpu.enqueue_indirect_dma source(%dma_start3A_28 : memref<10016x16xf32, #tpu.memory_space<hbm>>) target(%arg10 : memref<128x16xf32, #tpu.memory_space<vmem>>) offsets(%dma_start3A_25 : memref<128xi32, #tpu.memory_space<vmem>>) semaphore(%arg19 : memref<!tpu.dma_semaphore, #tpu.memory_space<semaphore_mem>>)
    %dma_start3A_29 = arith.constant 1 : i32
    %dma_start3A_30 = arith.constant 0 : i32
    %dma_start3A_31 = tpu.memref_slice %arg8[%dma_start3A_29, %dma_start3A_30] : memref<112x128xi32, #tpu.memory_space<vmem>> -> memref<1x128xi32, #tpu.memory_space<vmem>>
    %dma_start3A_32 = tpu.memref_squeeze %dma_start3A_31 : memref<1x128xi32, #tpu.memory_space<vmem>> -> memref<128xi32, #tpu.memory_space<vmem>>
    %dma_start3A_33 = arith.constant 0 : i32
    %dma_start3A_34 = arith.constant 0 : i32
    %dma_start3A_35 = tpu.memref_slice %arg2[%dma_start3A_33, %dma_start3A_34] : memref<10016x16xf32, #tpu.memory_space<hbm>> -> memref<10016x16xf32, #tpu.memory_space<hbm>>
    tpu.enqueue_indirect_dma source(%dma_start3A_35 : memref<10016x16xf32, #tpu.memory_space<hbm>>) target(%arg14 : memref<128x16xf32, #tpu.memory_space<vmem>>) offsets(%dma_start3A_32 : memref<128xi32, #tpu.memory_space<vmem>>) semaphore(%arg20 : memref<!tpu.dma_semaphore, #tpu.memory_space<semaphore_mem>>)
    %jit3A_36 = arith.constant 4 : i32
    %div3A = arith.divsi %select_n3A, %jit3A_36 : i32
    %sign3A = arith.constant 0 : i32
    %sign3A_37 = arith.cmpi sgt, %select_n3A, %sign3A : i32
    %sign3A_38 = arith.extui %sign3A_37 : i1 to i32
    %sign3A_39 = arith.constant 0 : i32
    %sign3A_40 = arith.cmpi slt, %select_n3A, %sign3A_39 : i32
    %sign3A_41 = arith.extui %sign3A_40 : i1 to i32
    %sign3A_42 = arith.subi %sign3A_38, %sign3A_41 : i32
    %sign3A_43 = arith.constant 0 : i32
    %sign3A_44 = arith.cmpi sgt, %jit3A_36, %sign3A_43 : i32
    %sign3A_45 = arith.extui %sign3A_44 : i1 to i32
    %sign3A_46 = arith.constant 0 : i32
    %sign3A_47 = arith.cmpi slt, %jit3A_36, %sign3A_46 : i32
    %sign3A_48 = arith.extui %sign3A_47 : i1 to i32
    %sign3A_49 = arith.subi %sign3A_45, %sign3A_48 : i32
    %ne3A = arith.cmpi ne, %sign3A_42, %sign3A_49 : i32
    %rem3A = arith.remsi %select_n3A, %jit3A_36 : i32
    %ne3A_50 = arith.constant 0 : i32
    %ne3A_51 = arith.cmpi ne, %rem3A, %ne3A_50 : i32
    %and3A = arith.andi %ne3A, %ne3A_51 : i1
    %sub3A = arith.constant 1 : i32
    %sub3A_52 = arith.subi %div3A, %sub3A : i32
    %select_n3A_53 = arith.select %and3A, %sub3A_52, %div3A : i32
    %while3A = arith.constant 0 : i32
    %while3A_54 = arith.constant 0 : i32
    %while3A_55 = arith.subi %select_n3A_53, %while3A : i32
    %while3A_56 = arith.addi %while3A, %while3A_55 : i32
    %while3A_57 = arith.constant 1 : i32
    %while3A_58 = arith.divsi %while3A_55, %while3A_57 : i32
    %while3A_59 = arith.muli %while3A_58, %while3A_57 : i32
    %while3A_60 = arith.addi %while3A, %while3A_59 : i32
    %while3A_61 = arith.constant 1 : i32
    %while3A_62 = scf.for %while3A_112 = %while3A to %while3A_60 step %while3A_61 iter_args(%while3A_113 = %while3A_54) -> (i32)  : i32 {
      %mul3A_114 = arith.constant 4 : i32
      %mul3A_115 = arith.muli %while3A_112, %mul3A_114 : i32
      %add3A_116 = arith.constant 0 : i32
      %add3A_117 = arith.addi %mul3A_115, %add3A_116 : i32
      %dma_wait3A_118 = arith.constant 0 : i32
      %dma_wait3A_119 = arith.constant 0 : i32
      %dma_wait3A_120 = tpu.memref_slice %arg7[%dma_wait3A_118, %dma_wait3A_119] : memref<112x128xi32, #tpu.memory_space<vmem>> -> memref<1x128xi32, #tpu.memory_space<vmem>>
      %dma_wait3A_121 = tpu.memref_squeeze %dma_wait3A_120 : memref<1x128xi32, #tpu.memory_space<vmem>> -> memref<128xi32, #tpu.memory_space<vmem>>
      %dma_wait3A_122 = arith.constant 0 : i32
      %dma_wait3A_123 = arith.constant 0 : i32
      %dma_wait3A_124 = tpu.memref_slice %arg2[%dma_wait3A_122, %dma_wait3A_123] : memref<10016x16xf32, #tpu.memory_space<hbm>> -> memref<10016x16xf32, #tpu.memory_space<hbm>>
      tpu.wait_indirect_dma semaphore(%arg17 : memref<!tpu.dma_semaphore, #tpu.memory_space<semaphore_mem>>) src(%dma_wait3A_124 : memref<10016x16xf32, #tpu.memory_space<hbm>>) dst(%arg9 : memref<128x16xf32, #tpu.memory_space<vmem>>)
      %dma_wait3A_125 = arith.constant 0 : i32
      %dma_wait3A_126 = arith.constant 0 : i32
      %dma_wait3A_127 = tpu.memref_slice %arg8[%dma_wait3A_125, %dma_wait3A_126] : memref<112x128xi32, #tpu.memory_space<vmem>> -> memref<1x128xi32, #tpu.memory_space<vmem>>
      %dma_wait3A_128 = tpu.memref_squeeze %dma_wait3A_127 : memref<1x128xi32, #tpu.memory_space<vmem>> -> memref<128xi32, #tpu.memory_space<vmem>>
      %dma_wait3A_129 = arith.constant 0 : i32
      %dma_wait3A_130 = arith.constant 0 : i32
      %dma_wait3A_131 = tpu.memref_slice %arg2[%dma_wait3A_129, %dma_wait3A_130] : memref<10016x16xf32, #tpu.memory_space<hbm>> -> memref<10016x16xf32, #tpu.memory_space<hbm>>
      tpu.wait_indirect_dma semaphore(%arg18 : memref<!tpu.dma_semaphore, #tpu.memory_space<semaphore_mem>>) src(%dma_wait3A_131 : memref<10016x16xf32, #tpu.memory_space<hbm>>) dst(%arg13 : memref<128x16xf32, #tpu.memory_space<vmem>>)
      %add3A_132 = arith.addi %select_n3A_8, %add3A_117 : i32
      %mul3A_133 = arith.constant 128 : i32
      %mul3A_134 = arith.muli %add3A_132, %mul3A_133 : i32
      %dma_start3A_135 = arith.constant 0 : i32
      %dma_start3A_136 = tpu.memref_slice %arg5[%mul3A_134, %dma_start3A_135] : memref<327680x16xf32, #tpu.memory_space<hbm>> -> memref<128x16xf32, #tpu.memory_space<hbm>>
      %dma_start3A_137 = arith.constant 0 : i32
      %dma_start3A_138 = tpu.memref_slice %arg5[%mul3A_134, %dma_start3A_137] : memref<327680x16xf32, #tpu.memory_space<hbm>> -> memref<128x16xf32, #tpu.memory_space<hbm>>
      tpu.enqueue_dma source(%arg13 : memref<128x16xf32, #tpu.memory_space<vmem>>) target(%dma_start3A_138 : memref<128x16xf32, #tpu.memory_space<hbm>>) target_semaphore(%arg25 : memref<!tpu.dma_semaphore, #tpu.memory_space<semaphore_mem>>)
      %dma_start3A_139 = arith.constant 0 : i32
      %dma_start3A_140 = tpu.memref_slice %arg6[%mul3A_134, %dma_start3A_139] : memref<327680x16xf32, #tpu.memory_space<hbm>> -> memref<128x16xf32, #tpu.memory_space<hbm>>
      %dma_start3A_141 = arith.constant 0 : i32
      %dma_start3A_142 = tpu.memref_slice %arg6[%mul3A_134, %dma_start3A_141] : memref<327680x16xf32, #tpu.memory_space<hbm>> -> memref<128x16xf32, #tpu.memory_space<hbm>>
      tpu.enqueue_dma source(%arg9 : memref<128x16xf32, #tpu.memory_space<vmem>>) target(%dma_start3A_142 : memref<128x16xf32, #tpu.memory_space<hbm>>) target_semaphore(%arg26 : memref<!tpu.dma_semaphore, #tpu.memory_space<semaphore_mem>>)
      %add3A_143 = arith.constant 2 : i32
      %add3A_144 = arith.addi %add3A_117, %add3A_143 : i32
      %lt3A = arith.cmpi slt, %add3A_144, %select_n3A : i32
      %convert_element_type3A = arith.extui %lt3A : i1 to i32
      %cond3A = arith.constant 0 : i32
      %cond3A_145 = arith.cmpi ne, %convert_element_type3A, %cond3A : i32
      scf.if %cond3A_145 {
        %ge3A = arith.constant 4 : i32
        %ge3A_246 = arith.cmpi sge, %add3A_144, %ge3A : i32
        %convert_element_type3A_247 = arith.extui %ge3A_246 : i1 to i32
        %cond3A_248 = arith.constant 0 : i32
        %cond3A_249 = arith.cmpi ne, %convert_element_type3A_247, %cond3A_248 : i32
        scf.if %cond3A_249 {
          %dma_wait3A_262 = arith.constant 0 : i32
          %dma_wait3A_263 = arith.constant 0 : i32
          %dma_wait3A_264 = tpu.memref_slice %arg5[%dma_wait3A_262, %dma_wait3A_263] : memref<327680x16xf32, #tpu.memory_space<hbm>> -> memref<128x16xf32, #tpu.memory_space<hbm>>
          %dma_wait3A_265 = arith.constant 0 : i32
          %dma_wait3A_266 = arith.constant 0 : i32
          %dma_wait3A_267 = tpu.memref_slice %arg5[%dma_wait3A_265, %dma_wait3A_266] : memref<327680x16xf32, #tpu.memory_space<hbm>> -> memref<128x16xf32, #tpu.memory_space<hbm>>
          tpu.wait_dma2 semaphore(%arg29 : memref<!tpu.dma_semaphore, #tpu.memory_space<semaphore_mem>>) src(%arg15 : memref<128x16xf32, #tpu.memory_space<vmem>>) dst(%dma_wait3A_267 : memref<128x16xf32, #tpu.memory_space<hbm>>)
          %dma_wait3A_268 = arith.constant 0 : i32
          %dma_wait3A_269 = arith.constant 0 : i32
          %dma_wait3A_270 = tpu.memref_slice %arg6[%dma_wait3A_268, %dma_wait3A_269] : memref<327680x16xf32, #tpu.memory_space<hbm>> -> memref<128x16xf32, #tpu.memory_space<hbm>>
          %dma_wait3A_271 = arith.constant 0 : i32
          %dma_wait3A_272 = arith.constant 0 : i32
          %dma_wait3A_273 = tpu.memref_slice %arg6[%dma_wait3A_271, %dma_wait3A_272] : memref<327680x16xf32, #tpu.memory_space<hbm>> -> memref<128x16xf32, #tpu.memory_space<hbm>>
          tpu.wait_dma2 semaphore(%arg30 : memref<!tpu.dma_semaphore, #tpu.memory_space<semaphore_mem>>) src(%arg11 : memref<128x16xf32, #tpu.memory_space<vmem>>) dst(%dma_wait3A_273 : memref<128x16xf32, #tpu.memory_space<hbm>>)
        } else {
        }
        %dma_start3A_250 = arith.constant 0 : i32
        %dma_start3A_251 = tpu.memref_slice %arg7[%add3A_144, %dma_start3A_250] : memref<112x128xi32, #tpu.memory_space<vmem>> -> memref<1x128xi32, #tpu.memory_space<vmem>>
        %dma_start3A_252 = tpu.memref_squeeze %dma_start3A_251 : memref<1x128xi32, #tpu.memory_space<vmem>> -> memref<128xi32, #tpu.memory_space<vmem>>
        %dma_start3A_253 = arith.constant 0 : i32
        %dma_start3A_254 = arith.constant 0 : i32
        %dma_start3A_255 = tpu.memref_slice %arg2[%dma_start3A_253, %dma_start3A_254] : memref<10016x16xf32, #tpu.memory_space<hbm>> -> memref<10016x16xf32, #tpu.memory_space<hbm>>
        tpu.enqueue_indirect_dma source(%dma_start3A_255 : memref<10016x16xf32, #tpu.memory_space<hbm>>) target(%arg11 : memref<128x16xf32, #tpu.memory_space<vmem>>) offsets(%dma_start3A_252 : memref<128xi32, #tpu.memory_space<vmem>>) semaphore(%arg21 : memref<!tpu.dma_semaphore, #tpu.memory_space<semaphore_mem>>)
        %dma_start3A_256 = arith.constant 0 : i32
        %dma_start3A_257 = tpu.memref_slice %arg8[%add3A_144, %dma_start3A_256] : memref<112x128xi32, #tpu.memory_space<vmem>> -> memref<1x128xi32, #tpu.memory_space<vmem>>
        %dma_start3A_258 = tpu.memref_squeeze %dma_start3A_257 : memref<1x128xi32, #tpu.memory_space<vmem>> -> memref<128xi32, #tpu.memory_space<vmem>>
        %dma_start3A_259 = arith.constant 0 : i32
        %dma_start3A_260 = arith.constant 0 : i32
        %dma_start3A_261 = tpu.memref_slice %arg2[%dma_start3A_259, %dma_start3A_260] : memref<10016x16xf32, #tpu.memory_space<hbm>> -> memref<10016x16xf32, #tpu.memory_space<hbm>>
        tpu.enqueue_indirect_dma source(%dma_start3A_261 : memref<10016x16xf32, #tpu.memory_space<hbm>>) target(%arg15 : memref<128x16xf32, #tpu.memory_space<vmem>>) offsets(%dma_start3A_258 : memref<128xi32, #tpu.memory_space<vmem>>) semaphore(%arg22 : memref<!tpu.dma_semaphore, #tpu.memory_space<semaphore_mem>>)
      } else {
      }
      %add3A_146 = arith.constant 1 : i32
      %add3A_147 = arith.addi %mul3A_115, %add3A_146 : i32
      %dma_wait3A_148 = arith.constant 0 : i32
      %dma_wait3A_149 = arith.constant 0 : i32
      %dma_wait3A_150 = tpu.memref_slice %arg7[%dma_wait3A_148, %dma_wait3A_149] : memref<112x128xi32, #tpu.memory_space<vmem>> -> memref<1x128xi32, #tpu.memory_space<vmem>>
      %dma_wait3A_151 = tpu.memref_squeeze %dma_wait3A_150 : memref<1x128xi32, #tpu.memory_space<vmem>> -> memref<128xi32, #tpu.memory_space<vmem>>
      %dma_wait3A_152 = arith.constant 0 : i32
      %dma_wait3A_153 = arith.constant 0 : i32
      %dma_wait3A_154 = tpu.memref_slice %arg2[%dma_wait3A_152, %dma_wait3A_153] : memref<10016x16xf32, #tpu.memory_space<hbm>> -> memref<10016x16xf32, #tpu.memory_space<hbm>>
      tpu.wait_indirect_dma semaphore(%arg19 : memref<!tpu.dma_semaphore, #tpu.memory_space<semaphore_mem>>) src(%dma_wait3A_154 : memref<10016x16xf32, #tpu.memory_space<hbm>>) dst(%arg10 : memref<128x16xf32, #tpu.memory_space<vmem>>)
      %dma_wait3A_155 = arith.constant 0 : i32
      %dma_wait3A_156 = arith.constant 0 : i32
      %dma_wait3A_157 = tpu.memref_slice %arg8[%dma_wait3A_155, %dma_wait3A_156] : memref<112x128xi32, #tpu.memory_space<vmem>> -> memref<1x128xi32, #tpu.memory_space<vmem>>
      %dma_wait3A_158 = tpu.memref_squeeze %dma_wait3A_157 : memref<1x128xi32, #tpu.memory_space<vmem>> -> memref<128xi32, #tpu.memory_space<vmem>>
      %dma_wait3A_159 = arith.constant 0 : i32
      %dma_wait3A_160 = arith.constant 0 : i32
      %dma_wait3A_161 = tpu.memref_slice %arg2[%dma_wait3A_159, %dma_wait3A_160] : memref<10016x16xf32, #tpu.memory_space<hbm>> -> memref<10016x16xf32, #tpu.memory_space<hbm>>
      tpu.wait_indirect_dma semaphore(%arg20 : memref<!tpu.dma_semaphore, #tpu.memory_space<semaphore_mem>>) src(%dma_wait3A_161 : memref<10016x16xf32, #tpu.memory_space<hbm>>) dst(%arg14 : memref<128x16xf32, #tpu.memory_space<vmem>>)
      %add3A_162 = arith.addi %select_n3A_8, %add3A_147 : i32
      %mul3A_163 = arith.constant 128 : i32
      %mul3A_164 = arith.muli %add3A_162, %mul3A_163 : i32
      %dma_start3A_165 = arith.constant 0 : i32
      %dma_start3A_166 = tpu.memref_slice %arg5[%mul3A_164, %dma_start3A_165] : memref<327680x16xf32, #tpu.memory_space<hbm>> -> memref<128x16xf32, #tpu.memory_space<hbm>>
      %dma_start3A_167 = arith.constant 0 : i32
      %dma_start3A_168 = tpu.memref_slice %arg5[%mul3A_164, %dma_start3A_167] : memref<327680x16xf32, #tpu.memory_space<hbm>> -> memref<128x16xf32, #tpu.memory_space<hbm>>
      tpu.enqueue_dma source(%arg14 : memref<128x16xf32, #tpu.memory_space<vmem>>) target(%dma_start3A_168 : memref<128x16xf32, #tpu.memory_space<hbm>>) target_semaphore(%arg27 : memref<!tpu.dma_semaphore, #tpu.memory_space<semaphore_mem>>)
      %dma_start3A_169 = arith.constant 0 : i32
      %dma_start3A_170 = tpu.memref_slice %arg6[%mul3A_164, %dma_start3A_169] : memref<327680x16xf32, #tpu.memory_space<hbm>> -> memref<128x16xf32, #tpu.memory_space<hbm>>
      %dma_start3A_171 = arith.constant 0 : i32
      %dma_start3A_172 = tpu.memref_slice %arg6[%mul3A_164, %dma_start3A_171] : memref<327680x16xf32, #tpu.memory_space<hbm>> -> memref<128x16xf32, #tpu.memory_space<hbm>>
      tpu.enqueue_dma source(%arg10 : memref<128x16xf32, #tpu.memory_space<vmem>>) target(%dma_start3A_172 : memref<128x16xf32, #tpu.memory_space<hbm>>) target_semaphore(%arg28 : memref<!tpu.dma_semaphore, #tpu.memory_space<semaphore_mem>>)
      %add3A_173 = arith.constant 2 : i32
      %add3A_174 = arith.addi %add3A_147, %add3A_173 : i32
      %lt3A_175 = arith.cmpi slt, %add3A_174, %select_n3A : i32
      %convert_element_type3A_176 = arith.extui %lt3A_175 : i1 to i32
      %cond3A_177 = arith.constant 0 : i32
      %cond3A_178 = arith.cmpi ne, %convert_element_type3A_176, %cond3A_177 : i32
      scf.if %cond3A_178 {
        %ge3A = arith.constant 4 : i32
        %ge3A_246 = arith.cmpi sge, %add3A_174, %ge3A : i32
        %convert_element_type3A_247 = arith.extui %ge3A_246 : i1 to i32
        %cond3A_248 = arith.constant 0 : i32
        %cond3A_249 = arith.cmpi ne, %convert_element_type3A_247, %cond3A_248 : i32
        scf.if %cond3A_249 {
          %dma_wait3A_262 = arith.constant 0 : i32
          %dma_wait3A_263 = arith.constant 0 : i32
          %dma_wait3A_264 = tpu.memref_slice %arg5[%dma_wait3A_262, %dma_wait3A_263] : memref<327680x16xf32, #tpu.memory_space<hbm>> -> memref<128x16xf32, #tpu.memory_space<hbm>>
          %dma_wait3A_265 = arith.constant 0 : i32
          %dma_wait3A_266 = arith.constant 0 : i32
          %dma_wait3A_267 = tpu.memref_slice %arg5[%dma_wait3A_265, %dma_wait3A_266] : memref<327680x16xf32, #tpu.memory_space<hbm>> -> memref<128x16xf32, #tpu.memory_space<hbm>>
          tpu.wait_dma2 semaphore(%arg31 : memref<!tpu.dma_semaphore, #tpu.memory_space<semaphore_mem>>) src(%arg16 : memref<128x16xf32, #tpu.memory_space<vmem>>) dst(%dma_wait3A_267 : memref<128x16xf32, #tpu.memory_space<hbm>>)
          %dma_wait3A_268 = arith.constant 0 : i32
          %dma_wait3A_269 = arith.constant 0 : i32
          %dma_wait3A_270 = tpu.memref_slice %arg6[%dma_wait3A_268, %dma_wait3A_269] : memref<327680x16xf32, #tpu.memory_space<hbm>> -> memref<128x16xf32, #tpu.memory_space<hbm>>
          %dma_wait3A_271 = arith.constant 0 : i32
          %dma_wait3A_272 = arith.constant 0 : i32
          %dma_wait3A_273 = tpu.memref_slice %arg6[%dma_wait3A_271, %dma_wait3A_272] : memref<327680x16xf32, #tpu.memory_space<hbm>> -> memref<128x16xf32, #tpu.memory_space<hbm>>
          tpu.wait_dma2 semaphore(%arg32 : memref<!tpu.dma_semaphore, #tpu.memory_space<semaphore_mem>>) src(%arg12 : memref<128x16xf32, #tpu.memory_space<vmem>>) dst(%dma_wait3A_273 : memref<128x16xf32, #tpu.memory_space<hbm>>)
        } else {
        }
        %dma_start3A_250 = arith.constant 0 : i32
        %dma_start3A_251 = tpu.memref_slice %arg7[%add3A_174, %dma_start3A_250] : memref<112x128xi32, #tpu.memory_space<vmem>> -> memref<1x128xi32, #tpu.memory_space<vmem>>
        %dma_start3A_252 = tpu.memref_squeeze %dma_start3A_251 : memref<1x128xi32, #tpu.memory_space<vmem>> -> memref<128xi32, #tpu.memory_space<vmem>>
        %dma_start3A_253 = arith.constant 0 : i32
        %dma_start3A_254 = arith.constant 0 : i32
        %dma_start3A_255 = tpu.memref_slice %arg2[%dma_start3A_253, %dma_start3A_254] : memref<10016x16xf32, #tpu.memory_space<hbm>> -> memref<10016x16xf32, #tpu.memory_space<hbm>>
        tpu.enqueue_indirect_dma source(%dma_start3A_255 : memref<10016x16xf32, #tpu.memory_space<hbm>>) target(%arg12 : memref<128x16xf32, #tpu.memory_space<vmem>>) offsets(%dma_start3A_252 : memref<128xi32, #tpu.memory_space<vmem>>) semaphore(%arg23 : memref<!tpu.dma_semaphore, #tpu.memory_space<semaphore_mem>>)
        %dma_start3A_256 = arith.constant 0 : i32
        %dma_start3A_257 = tpu.memref_slice %arg8[%add3A_174, %dma_start3A_256] : memref<112x128xi32, #tpu.memory_space<vmem>> -> memref<1x128xi32, #tpu.memory_space<vmem>>
        %dma_start3A_258 = tpu.memref_squeeze %dma_start3A_257 : memref<1x128xi32, #tpu.memory_space<vmem>> -> memref<128xi32, #tpu.memory_space<vmem>>
        %dma_start3A_259 = arith.constant 0 : i32
        %dma_start3A_260 = arith.constant 0 : i32
        %dma_start3A_261 = tpu.memref_slice %arg2[%dma_start3A_259, %dma_start3A_260] : memref<10016x16xf32, #tpu.memory_space<hbm>> -> memref<10016x16xf32, #tpu.memory_space<hbm>>
        tpu.enqueue_indirect_dma source(%dma_start3A_261 : memref<10016x16xf32, #tpu.memory_space<hbm>>) target(%arg16 : memref<128x16xf32, #tpu.memory_space<vmem>>) offsets(%dma_start3A_258 : memref<128xi32, #tpu.memory_space<vmem>>) semaphore(%arg24 : memref<!tpu.dma_semaphore, #tpu.memory_space<semaphore_mem>>)
      } else {
      }
      %add3A_179 = arith.constant 2 : i32
      %add3A_180 = arith.addi %mul3A_115, %add3A_179 : i32
      %dma_wait3A_181 = arith.constant 0 : i32
      %dma_wait3A_182 = arith.constant 0 : i32
      %dma_wait3A_183 = tpu.memref_slice %arg7[%dma_wait3A_181, %dma_wait3A_182] : memref<112x128xi32, #tpu.memory_space<vmem>> -> memref<1x128xi32, #tpu.memory_space<vmem>>
      %dma_wait3A_184 = tpu.memref_squeeze %dma_wait3A_183 : memref<1x128xi32, #tpu.memory_space<vmem>> -> memref<128xi32, #tpu.memory_space<vmem>>
      %dma_wait3A_185 = arith.constant 0 : i32
      %dma_wait3A_186 = arith.constant 0 : i32
      %dma_wait3A_187 = tpu.memref_slice %arg2[%dma_wait3A_185, %dma_wait3A_186] : memref<10016x16xf32, #tpu.memory_space<hbm>> -> memref<10016x16xf32, #tpu.memory_space<hbm>>
      tpu.wait_indirect_dma semaphore(%arg21 : memref<!tpu.dma_semaphore, #tpu.memory_space<semaphore_mem>>) src(%dma_wait3A_187 : memref<10016x16xf32, #tpu.memory_space<hbm>>) dst(%arg11 : memref<128x16xf32, #tpu.memory_space<vmem>>)
      %dma_wait3A_188 = arith.constant 0 : i32
      %dma_wait3A_189 = arith.constant 0 : i32
      %dma_wait3A_190 = tpu.memref_slice %arg8[%dma_wait3A_188, %dma_wait3A_189] : memref<112x128xi32, #tpu.memory_space<vmem>> -> memref<1x128xi32, #tpu.memory_space<vmem>>
      %dma_wait3A_191 = tpu.memref_squeeze %dma_wait3A_190 : memref<1x128xi32, #tpu.memory_space<vmem>> -> memref<128xi32, #tpu.memory_space<vmem>>
      %dma_wait3A_192 = arith.constant 0 : i32
      %dma_wait3A_193 = arith.constant 0 : i32
      %dma_wait3A_194 = tpu.memref_slice %arg2[%dma_wait3A_192, %dma_wait3A_193] : memref<10016x16xf32, #tpu.memory_space<hbm>> -> memref<10016x16xf32, #tpu.memory_space<hbm>>
      tpu.wait_indirect_dma semaphore(%arg22 : memref<!tpu.dma_semaphore, #tpu.memory_space<semaphore_mem>>) src(%dma_wait3A_194 : memref<10016x16xf32, #tpu.memory_space<hbm>>) dst(%arg15 : memref<128x16xf32, #tpu.memory_space<vmem>>)
      %add3A_195 = arith.addi %select_n3A_8, %add3A_180 : i32
      %mul3A_196 = arith.constant 128 : i32
      %mul3A_197 = arith.muli %add3A_195, %mul3A_196 : i32
      %dma_start3A_198 = arith.constant 0 : i32
      %dma_start3A_199 = tpu.memref_slice %arg5[%mul3A_197, %dma_start3A_198] : memref<327680x16xf32, #tpu.memory_space<hbm>> -> memref<128x16xf32, #tpu.memory_space<hbm>>
      %dma_start3A_200 = arith.constant 0 : i32
      %dma_start3A_201 = tpu.memref_slice %arg5[%mul3A_197, %dma_start3A_200] : memref<327680x16xf32, #tpu.memory_space<hbm>> -> memref<128x16xf32, #tpu.memory_space<hbm>>
      tpu.enqueue_dma source(%arg15 : memref<128x16xf32, #tpu.memory_space<vmem>>) target(%dma_start3A_201 : memref<128x16xf32, #tpu.memory_space<hbm>>) target_semaphore(%arg29 : memref<!tpu.dma_semaphore, #tpu.memory_space<semaphore_mem>>)
      %dma_start3A_202 = arith.constant 0 : i32
      %dma_start3A_203 = tpu.memref_slice %arg6[%mul3A_197, %dma_start3A_202] : memref<327680x16xf32, #tpu.memory_space<hbm>> -> memref<128x16xf32, #tpu.memory_space<hbm>>
      %dma_start3A_204 = arith.constant 0 : i32
      %dma_start3A_205 = tpu.memref_slice %arg6[%mul3A_197, %dma_start3A_204] : memref<327680x16xf32, #tpu.memory_space<hbm>> -> memref<128x16xf32, #tpu.memory_space<hbm>>
      tpu.enqueue_dma source(%arg11 : memref<128x16xf32, #tpu.memory_space<vmem>>) target(%dma_start3A_205 : memref<128x16xf32, #tpu.memory_space<hbm>>) target_semaphore(%arg30 : memref<!tpu.dma_semaphore, #tpu.memory_space<semaphore_mem>>)
      %add3A_206 = arith.constant 2 : i32
      %add3A_207 = arith.addi %add3A_180, %add3A_206 : i32
      %lt3A_208 = arith.cmpi slt, %add3A_207, %select_n3A : i32
      %convert_element_type3A_209 = arith.extui %lt3A_208 : i1 to i32
      %cond3A_210 = arith.constant 0 : i32
      %cond3A_211 = arith.cmpi ne, %convert_element_type3A_209, %cond3A_210 : i32
      scf.if %cond3A_211 {
        %ge3A = arith.constant 4 : i32
        %ge3A_246 = arith.cmpi sge, %add3A_207, %ge3A : i32
        %convert_element_type3A_247 = arith.extui %ge3A_246 : i1 to i32
        %cond3A_248 = arith.constant 0 : i32
        %cond3A_249 = arith.cmpi ne, %convert_element_type3A_247, %cond3A_248 : i32
        scf.if %cond3A_249 {
          %dma_wait3A_262 = arith.constant 0 : i32
          %dma_wait3A_263 = arith.constant 0 : i32
          %dma_wait3A_264 = tpu.memref_slice %arg5[%dma_wait3A_262, %dma_wait3A_263] : memref<327680x16xf32, #tpu.memory_space<hbm>> -> memref<128x16xf32, #tpu.memory_space<hbm>>
          %dma_wait3A_265 = arith.constant 0 : i32
          %dma_wait3A_266 = arith.constant 0 : i32
          %dma_wait3A_267 = tpu.memref_slice %arg5[%dma_wait3A_265, %dma_wait3A_266] : memref<327680x16xf32, #tpu.memory_space<hbm>> -> memref<128x16xf32, #tpu.memory_space<hbm>>
          tpu.wait_dma2 semaphore(%arg25 : memref<!tpu.dma_semaphore, #tpu.memory_space<semaphore_mem>>) src(%arg13 : memref<128x16xf32, #tpu.memory_space<vmem>>) dst(%dma_wait3A_267 : memref<128x16xf32, #tpu.memory_space<hbm>>)
          %dma_wait3A_268 = arith.constant 0 : i32
          %dma_wait3A_269 = arith.constant 0 : i32
          %dma_wait3A_270 = tpu.memref_slice %arg6[%dma_wait3A_268, %dma_wait3A_269] : memref<327680x16xf32, #tpu.memory_space<hbm>> -> memref<128x16xf32, #tpu.memory_space<hbm>>
          %dma_wait3A_271 = arith.constant 0 : i32
          %dma_wait3A_272 = arith.constant 0 : i32
          %dma_wait3A_273 = tpu.memref_slice %arg6[%dma_wait3A_271, %dma_wait3A_272] : memref<327680x16xf32, #tpu.memory_space<hbm>> -> memref<128x16xf32, #tpu.memory_space<hbm>>
          tpu.wait_dma2 semaphore(%arg26 : memref<!tpu.dma_semaphore, #tpu.memory_space<semaphore_mem>>) src(%arg9 : memref<128x16xf32, #tpu.memory_space<vmem>>) dst(%dma_wait3A_273 : memref<128x16xf32, #tpu.memory_space<hbm>>)
        } else {
        }
        %dma_start3A_250 = arith.constant 0 : i32
        %dma_start3A_251 = tpu.memref_slice %arg7[%add3A_207, %dma_start3A_250] : memref<112x128xi32, #tpu.memory_space<vmem>> -> memref<1x128xi32, #tpu.memory_space<vmem>>
        %dma_start3A_252 = tpu.memref_squeeze %dma_start3A_251 : memref<1x128xi32, #tpu.memory_space<vmem>> -> memref<128xi32, #tpu.memory_space<vmem>>
        %dma_start3A_253 = arith.constant 0 : i32
        %dma_start3A_254 = arith.constant 0 : i32
        %dma_start3A_255 = tpu.memref_slice %arg2[%dma_start3A_253, %dma_start3A_254] : memref<10016x16xf32, #tpu.memory_space<hbm>> -> memref<10016x16xf32, #tpu.memory_space<hbm>>
        tpu.enqueue_indirect_dma source(%dma_start3A_255 : memref<10016x16xf32, #tpu.memory_space<hbm>>) target(%arg9 : memref<128x16xf32, #tpu.memory_space<vmem>>) offsets(%dma_start3A_252 : memref<128xi32, #tpu.memory_space<vmem>>) semaphore(%arg17 : memref<!tpu.dma_semaphore, #tpu.memory_space<semaphore_mem>>)
        %dma_start3A_256 = arith.constant 0 : i32
        %dma_start3A_257 = tpu.memref_slice %arg8[%add3A_207, %dma_start3A_256] : memref<112x128xi32, #tpu.memory_space<vmem>> -> memref<1x128xi32, #tpu.memory_space<vmem>>
        %dma_start3A_258 = tpu.memref_squeeze %dma_start3A_257 : memref<1x128xi32, #tpu.memory_space<vmem>> -> memref<128xi32, #tpu.memory_space<vmem>>
        %dma_start3A_259 = arith.constant 0 : i32
        %dma_start3A_260 = arith.constant 0 : i32
        %dma_start3A_261 = tpu.memref_slice %arg2[%dma_start3A_259, %dma_start3A_260] : memref<10016x16xf32, #tpu.memory_space<hbm>> -> memref<10016x16xf32, #tpu.memory_space<hbm>>
        tpu.enqueue_indirect_dma source(%dma_start3A_261 : memref<10016x16xf32, #tpu.memory_space<hbm>>) target(%arg13 : memref<128x16xf32, #tpu.memory_space<vmem>>) offsets(%dma_start3A_258 : memref<128xi32, #tpu.memory_space<vmem>>) semaphore(%arg18 : memref<!tpu.dma_semaphore, #tpu.memory_space<semaphore_mem>>)
      } else {
      }
      %add3A_212 = arith.constant 3 : i32
      %add3A_213 = arith.addi %mul3A_115, %add3A_212 : i32
      %dma_wait3A_214 = arith.constant 0 : i32
      %dma_wait3A_215 = arith.constant 0 : i32
      %dma_wait3A_216 = tpu.memref_slice %arg7[%dma_wait3A_214, %dma_wait3A_215] : memref<112x128xi32, #tpu.memory_space<vmem>> -> memref<1x128xi32, #tpu.memory_space<vmem>>
      %dma_wait3A_217 = tpu.memref_squeeze %dma_wait3A_216 : memref<1x128xi32, #tpu.memory_space<vmem>> -> memref<128xi32, #tpu.memory_space<vmem>>
      %dma_wait3A_218 = arith.constant 0 : i32
      %dma_wait3A_219 = arith.constant 0 : i32
      %dma_wait3A_220 = tpu.memref_slice %arg2[%dma_wait3A_218, %dma_wait3A_219] : memref<10016x16xf32, #tpu.memory_space<hbm>> -> memref<10016x16xf32, #tpu.memory_space<hbm>>
      tpu.wait_indirect_dma semaphore(%arg23 : memref<!tpu.dma_semaphore, #tpu.memory_space<semaphore_mem>>) src(%dma_wait3A_220 : memref<10016x16xf32, #tpu.memory_space<hbm>>) dst(%arg12 : memref<128x16xf32, #tpu.memory_space<vmem>>)
      %dma_wait3A_221 = arith.constant 0 : i32
      %dma_wait3A_222 = arith.constant 0 : i32
      %dma_wait3A_223 = tpu.memref_slice %arg8[%dma_wait3A_221, %dma_wait3A_222] : memref<112x128xi32, #tpu.memory_space<vmem>> -> memref<1x128xi32, #tpu.memory_space<vmem>>
      %dma_wait3A_224 = tpu.memref_squeeze %dma_wait3A_223 : memref<1x128xi32, #tpu.memory_space<vmem>> -> memref<128xi32, #tpu.memory_space<vmem>>
      %dma_wait3A_225 = arith.constant 0 : i32
      %dma_wait3A_226 = arith.constant 0 : i32
      %dma_wait3A_227 = tpu.memref_slice %arg2[%dma_wait3A_225, %dma_wait3A_226] : memref<10016x16xf32, #tpu.memory_space<hbm>> -> memref<10016x16xf32, #tpu.memory_space<hbm>>
      tpu.wait_indirect_dma semaphore(%arg24 : memref<!tpu.dma_semaphore, #tpu.memory_space<semaphore_mem>>) src(%dma_wait3A_227 : memref<10016x16xf32, #tpu.memory_space<hbm>>) dst(%arg16 : memref<128x16xf32, #tpu.memory_space<vmem>>)
      %add3A_228 = arith.addi %select_n3A_8, %add3A_213 : i32
      %mul3A_229 = arith.constant 128 : i32
      %mul3A_230 = arith.muli %add3A_228, %mul3A_229 : i32
      %dma_start3A_231 = arith.constant 0 : i32
      %dma_start3A_232 = tpu.memref_slice %arg5[%mul3A_230, %dma_start3A_231] : memref<327680x16xf32, #tpu.memory_space<hbm>> -> memref<128x16xf32, #tpu.memory_space<hbm>>
      %dma_start3A_233 = arith.constant 0 : i32
      %dma_start3A_234 = tpu.memref_slice %arg5[%mul3A_230, %dma_start3A_233] : memref<327680x16xf32, #tpu.memory_space<hbm>> -> memref<128x16xf32, #tpu.memory_space<hbm>>
      tpu.enqueue_dma source(%arg16 : memref<128x16xf32, #tpu.memory_space<vmem>>) target(%dma_start3A_234 : memref<128x16xf32, #tpu.memory_space<hbm>>) target_semaphore(%arg31 : memref<!tpu.dma_semaphore, #tpu.memory_space<semaphore_mem>>)
      %dma_start3A_235 = arith.constant 0 : i32
      %dma_start3A_236 = tpu.memref_slice %arg6[%mul3A_230, %dma_start3A_235] : memref<327680x16xf32, #tpu.memory_space<hbm>> -> memref<128x16xf32, #tpu.memory_space<hbm>>
      %dma_start3A_237 = arith.constant 0 : i32
      %dma_start3A_238 = tpu.memref_slice %arg6[%mul3A_230, %dma_start3A_237] : memref<327680x16xf32, #tpu.memory_space<hbm>> -> memref<128x16xf32, #tpu.memory_space<hbm>>
      tpu.enqueue_dma source(%arg12 : memref<128x16xf32, #tpu.memory_space<vmem>>) target(%dma_start3A_238 : memref<128x16xf32, #tpu.memory_space<hbm>>) target_semaphore(%arg32 : memref<!tpu.dma_semaphore, #tpu.memory_space<semaphore_mem>>)
      %add3A_239 = arith.constant 2 : i32
      %add3A_240 = arith.addi %add3A_213, %add3A_239 : i32
      %lt3A_241 = arith.cmpi slt, %add3A_240, %select_n3A : i32
      %convert_element_type3A_242 = arith.extui %lt3A_241 : i1 to i32
      %cond3A_243 = arith.constant 0 : i32
      %cond3A_244 = arith.cmpi ne, %convert_element_type3A_242, %cond3A_243 : i32
      scf.if %cond3A_244 {
        %ge3A = arith.constant 4 : i32
        %ge3A_246 = arith.cmpi sge, %add3A_240, %ge3A : i32
        %convert_element_type3A_247 = arith.extui %ge3A_246 : i1 to i32
        %cond3A_248 = arith.constant 0 : i32
        %cond3A_249 = arith.cmpi ne, %convert_element_type3A_247, %cond3A_248 : i32
        scf.if %cond3A_249 {
          %dma_wait3A_262 = arith.constant 0 : i32
          %dma_wait3A_263 = arith.constant 0 : i32
          %dma_wait3A_264 = tpu.memref_slice %arg5[%dma_wait3A_262, %dma_wait3A_263] : memref<327680x16xf32, #tpu.memory_space<hbm>> -> memref<128x16xf32, #tpu.memory_space<hbm>>
          %dma_wait3A_265 = arith.constant 0 : i32
          %dma_wait3A_266 = arith.constant 0 : i32
          %dma_wait3A_267 = tpu.memref_slice %arg5[%dma_wait3A_265, %dma_wait3A_266] : memref<327680x16xf32, #tpu.memory_space<hbm>> -> memref<128x16xf32, #tpu.memory_space<hbm>>
          tpu.wait_dma2 semaphore(%arg27 : memref<!tpu.dma_semaphore, #tpu.memory_space<semaphore_mem>>) src(%arg14 : memref<128x16xf32, #tpu.memory_space<vmem>>) dst(%dma_wait3A_267 : memref<128x16xf32, #tpu.memory_space<hbm>>)
          %dma_wait3A_268 = arith.constant 0 : i32
          %dma_wait3A_269 = arith.constant 0 : i32
          %dma_wait3A_270 = tpu.memref_slice %arg6[%dma_wait3A_268, %dma_wait3A_269] : memref<327680x16xf32, #tpu.memory_space<hbm>> -> memref<128x16xf32, #tpu.memory_space<hbm>>
          %dma_wait3A_271 = arith.constant 0 : i32
          %dma_wait3A_272 = arith.constant 0 : i32
          %dma_wait3A_273 = tpu.memref_slice %arg6[%dma_wait3A_271, %dma_wait3A_272] : memref<327680x16xf32, #tpu.memory_space<hbm>> -> memref<128x16xf32, #tpu.memory_space<hbm>>
          tpu.wait_dma2 semaphore(%arg28 : memref<!tpu.dma_semaphore, #tpu.memory_space<semaphore_mem>>) src(%arg10 : memref<128x16xf32, #tpu.memory_space<vmem>>) dst(%dma_wait3A_273 : memref<128x16xf32, #tpu.memory_space<hbm>>)
        } else {
        }
        %dma_start3A_250 = arith.constant 0 : i32
        %dma_start3A_251 = tpu.memref_slice %arg7[%add3A_240, %dma_start3A_250] : memref<112x128xi32, #tpu.memory_space<vmem>> -> memref<1x128xi32, #tpu.memory_space<vmem>>
        %dma_start3A_252 = tpu.memref_squeeze %dma_start3A_251 : memref<1x128xi32, #tpu.memory_space<vmem>> -> memref<128xi32, #tpu.memory_space<vmem>>
        %dma_start3A_253 = arith.constant 0 : i32
        %dma_start3A_254 = arith.constant 0 : i32
        %dma_start3A_255 = tpu.memref_slice %arg2[%dma_start3A_253, %dma_start3A_254] : memref<10016x16xf32, #tpu.memory_space<hbm>> -> memref<10016x16xf32, #tpu.memory_space<hbm>>
        tpu.enqueue_indirect_dma source(%dma_start3A_255 : memref<10016x16xf32, #tpu.memory_space<hbm>>) target(%arg10 : memref<128x16xf32, #tpu.memory_space<vmem>>) offsets(%dma_start3A_252 : memref<128xi32, #tpu.memory_space<vmem>>) semaphore(%arg19 : memref<!tpu.dma_semaphore, #tpu.memory_space<semaphore_mem>>)
        %dma_start3A_256 = arith.constant 0 : i32
        %dma_start3A_257 = tpu.memref_slice %arg8[%add3A_240, %dma_start3A_256] : memref<112x128xi32, #tpu.memory_space<vmem>> -> memref<1x128xi32, #tpu.memory_space<vmem>>
        %dma_start3A_258 = tpu.memref_squeeze %dma_start3A_257 : memref<1x128xi32, #tpu.memory_space<vmem>> -> memref<128xi32, #tpu.memory_space<vmem>>
        %dma_start3A_259 = arith.constant 0 : i32
        %dma_start3A_260 = arith.constant 0 : i32
        %dma_start3A_261 = tpu.memref_slice %arg2[%dma_start3A_259, %dma_start3A_260] : memref<10016x16xf32, #tpu.memory_space<hbm>> -> memref<10016x16xf32, #tpu.memory_space<hbm>>
        tpu.enqueue_indirect_dma source(%dma_start3A_261 : memref<10016x16xf32, #tpu.memory_space<hbm>>) target(%arg14 : memref<128x16xf32, #tpu.memory_space<vmem>>) offsets(%dma_start3A_258 : memref<128xi32, #tpu.memory_space<vmem>>) semaphore(%arg20 : memref<!tpu.dma_semaphore, #tpu.memory_space<semaphore_mem>>)
      } else {
      }
      %while3A_245 = arith.constant 0 : i32
      scf.yield %while3A_245 : i32
    }
    %while3A_63 = arith.constant 1 : i32
    %while3A_64 = scf.for %while3A_112 = %while3A_60 to %while3A_56 step %while3A_63 iter_args(%while3A_113 = %while3A_62) -> (i32)  : i32 {
      %mul3A_114 = arith.constant 4 : i32
      %mul3A_115 = arith.muli %while3A_112, %mul3A_114 : i32
      %add3A_116 = arith.constant 0 : i32
      %add3A_117 = arith.addi %mul3A_115, %add3A_116 : i32
      %dma_wait3A_118 = arith.constant 0 : i32
      %dma_wait3A_119 = arith.constant 0 : i32
      %dma_wait3A_120 = tpu.memref_slice %arg7[%dma_wait3A_118, %dma_wait3A_119] : memref<112x128xi32, #tpu.memory_space<vmem>> -> memref<1x128xi32, #tpu.memory_space<vmem>>
      %dma_wait3A_121 = tpu.memref_squeeze %dma_wait3A_120 : memref<1x128xi32, #tpu.memory_space<vmem>> -> memref<128xi32, #tpu.memory_space<vmem>>
      %dma_wait3A_122 = arith.constant 0 : i32
      %dma_wait3A_123 = arith.constant 0 : i32
      %dma_wait3A_124 = tpu.memref_slice %arg2[%dma_wait3A_122, %dma_wait3A_123] : memref<10016x16xf32, #tpu.memory_space<hbm>> -> memref<10016x16xf32, #tpu.memory_space<hbm>>
      tpu.wait_indirect_dma semaphore(%arg17 : memref<!tpu.dma_semaphore, #tpu.memory_space<semaphore_mem>>) src(%dma_wait3A_124 : memref<10016x16xf32, #tpu.memory_space<hbm>>) dst(%arg9 : memref<128x16xf32, #tpu.memory_space<vmem>>)
      %dma_wait3A_125 = arith.constant 0 : i32
      %dma_wait3A_126 = arith.constant 0 : i32
      %dma_wait3A_127 = tpu.memref_slice %arg8[%dma_wait3A_125, %dma_wait3A_126] : memref<112x128xi32, #tpu.memory_space<vmem>> -> memref<1x128xi32, #tpu.memory_space<vmem>>
      %dma_wait3A_128 = tpu.memref_squeeze %dma_wait3A_127 : memref<1x128xi32, #tpu.memory_space<vmem>> -> memref<128xi32, #tpu.memory_space<vmem>>
      %dma_wait3A_129 = arith.constant 0 : i32
      %dma_wait3A_130 = arith.constant 0 : i32
      %dma_wait3A_131 = tpu.memref_slice %arg2[%dma_wait3A_129, %dma_wait3A_130] : memref<10016x16xf32, #tpu.memory_space<hbm>> -> memref<10016x16xf32, #tpu.memory_space<hbm>>
      tpu.wait_indirect_dma semaphore(%arg18 : memref<!tpu.dma_semaphore, #tpu.memory_space<semaphore_mem>>) src(%dma_wait3A_131 : memref<10016x16xf32, #tpu.memory_space<hbm>>) dst(%arg13 : memref<128x16xf32, #tpu.memory_space<vmem>>)
      %add3A_132 = arith.addi %select_n3A_8, %add3A_117 : i32
      %mul3A_133 = arith.constant 128 : i32
      %mul3A_134 = arith.muli %add3A_132, %mul3A_133 : i32
      %dma_start3A_135 = arith.constant 0 : i32
      %dma_start3A_136 = tpu.memref_slice %arg5[%mul3A_134, %dma_start3A_135] : memref<327680x16xf32, #tpu.memory_space<hbm>> -> memref<128x16xf32, #tpu.memory_space<hbm>>
      %dma_start3A_137 = arith.constant 0 : i32
      %dma_start3A_138 = tpu.memref_slice %arg5[%mul3A_134, %dma_start3A_137] : memref<327680x16xf32, #tpu.memory_space<hbm>> -> memref<128x16xf32, #tpu.memory_space<hbm>>
      tpu.enqueue_dma source(%arg13 : memref<128x16xf32, #tpu.memory_space<vmem>>) target(%dma_start3A_138 : memref<128x16xf32, #tpu.memory_space<hbm>>) target_semaphore(%arg25 : memref<!tpu.dma_semaphore, #tpu.memory_space<semaphore_mem>>)
      %dma_start3A_139 = arith.constant 0 : i32
      %dma_start3A_140 = tpu.memref_slice %arg6[%mul3A_134, %dma_start3A_139] : memref<327680x16xf32, #tpu.memory_space<hbm>> -> memref<128x16xf32, #tpu.memory_space<hbm>>
      %dma_start3A_141 = arith.constant 0 : i32
      %dma_start3A_142 = tpu.memref_slice %arg6[%mul3A_134, %dma_start3A_141] : memref<327680x16xf32, #tpu.memory_space<hbm>> -> memref<128x16xf32, #tpu.memory_space<hbm>>
      tpu.enqueue_dma source(%arg9 : memref<128x16xf32, #tpu.memory_space<vmem>>) target(%dma_start3A_142 : memref<128x16xf32, #tpu.memory_space<hbm>>) target_semaphore(%arg26 : memref<!tpu.dma_semaphore, #tpu.memory_space<semaphore_mem>>)
      %add3A_143 = arith.constant 2 : i32
      %add3A_144 = arith.addi %add3A_117, %add3A_143 : i32
      %lt3A = arith.cmpi slt, %add3A_144, %select_n3A : i32
      %convert_element_type3A = arith.extui %lt3A : i1 to i32
      %cond3A = arith.constant 0 : i32
      %cond3A_145 = arith.cmpi ne, %convert_element_type3A, %cond3A : i32
      scf.if %cond3A_145 {
        %ge3A = arith.constant 4 : i32
        %ge3A_246 = arith.cmpi sge, %add3A_144, %ge3A : i32
        %convert_element_type3A_247 = arith.extui %ge3A_246 : i1 to i32
        %cond3A_248 = arith.constant 0 : i32
        %cond3A_249 = arith.cmpi ne, %convert_element_type3A_247, %cond3A_248 : i32
        scf.if %cond3A_249 {
          %dma_wait3A_262 = arith.constant 0 : i32
          %dma_wait3A_263 = arith.constant 0 : i32
          %dma_wait3A_264 = tpu.memref_slice %arg5[%dma_wait3A_262, %dma_wait3A_263] : memref<327680x16xf32, #tpu.memory_space<hbm>> -> memref<128x16xf32, #tpu.memory_space<hbm>>
          %dma_wait3A_265 = arith.constant 0 : i32
          %dma_wait3A_266 = arith.constant 0 : i32
          %dma_wait3A_267 = tpu.memref_slice %arg5[%dma_wait3A_265, %dma_wait3A_266] : memref<327680x16xf32, #tpu.memory_space<hbm>> -> memref<128x16xf32, #tpu.memory_space<hbm>>
          tpu.wait_dma2 semaphore(%arg29 : memref<!tpu.dma_semaphore, #tpu.memory_space<semaphore_mem>>) src(%arg15 : memref<128x16xf32, #tpu.memory_space<vmem>>) dst(%dma_wait3A_267 : memref<128x16xf32, #tpu.memory_space<hbm>>)
          %dma_wait3A_268 = arith.constant 0 : i32
          %dma_wait3A_269 = arith.constant 0 : i32
          %dma_wait3A_270 = tpu.memref_slice %arg6[%dma_wait3A_268, %dma_wait3A_269] : memref<327680x16xf32, #tpu.memory_space<hbm>> -> memref<128x16xf32, #tpu.memory_space<hbm>>
          %dma_wait3A_271 = arith.constant 0 : i32
          %dma_wait3A_272 = arith.constant 0 : i32
          %dma_wait3A_273 = tpu.memref_slice %arg6[%dma_wait3A_271, %dma_wait3A_272] : memref<327680x16xf32, #tpu.memory_space<hbm>> -> memref<128x16xf32, #tpu.memory_space<hbm>>
          tpu.wait_dma2 semaphore(%arg30 : memref<!tpu.dma_semaphore, #tpu.memory_space<semaphore_mem>>) src(%arg11 : memref<128x16xf32, #tpu.memory_space<vmem>>) dst(%dma_wait3A_273 : memref<128x16xf32, #tpu.memory_space<hbm>>)
        } else {
        }
        %dma_start3A_250 = arith.constant 0 : i32
        %dma_start3A_251 = tpu.memref_slice %arg7[%add3A_144, %dma_start3A_250] : memref<112x128xi32, #tpu.memory_space<vmem>> -> memref<1x128xi32, #tpu.memory_space<vmem>>
        %dma_start3A_252 = tpu.memref_squeeze %dma_start3A_251 : memref<1x128xi32, #tpu.memory_space<vmem>> -> memref<128xi32, #tpu.memory_space<vmem>>
        %dma_start3A_253 = arith.constant 0 : i32
        %dma_start3A_254 = arith.constant 0 : i32
        %dma_start3A_255 = tpu.memref_slice %arg2[%dma_start3A_253, %dma_start3A_254] : memref<10016x16xf32, #tpu.memory_space<hbm>> -> memref<10016x16xf32, #tpu.memory_space<hbm>>
        tpu.enqueue_indirect_dma source(%dma_start3A_255 : memref<10016x16xf32, #tpu.memory_space<hbm>>) target(%arg11 : memref<128x16xf32, #tpu.memory_space<vmem>>) offsets(%dma_start3A_252 : memref<128xi32, #tpu.memory_space<vmem>>) semaphore(%arg21 : memref<!tpu.dma_semaphore, #tpu.memory_space<semaphore_mem>>)
        %dma_start3A_256 = arith.constant 0 : i32
        %dma_start3A_257 = tpu.memref_slice %arg8[%add3A_144, %dma_start3A_256] : memref<112x128xi32, #tpu.memory_space<vmem>> -> memref<1x128xi32, #tpu.memory_space<vmem>>
        %dma_start3A_258 = tpu.memref_squeeze %dma_start3A_257 : memref<1x128xi32, #tpu.memory_space<vmem>> -> memref<128xi32, #tpu.memory_space<vmem>>
        %dma_start3A_259 = arith.constant 0 : i32
        %dma_start3A_260 = arith.constant 0 : i32
        %dma_start3A_261 = tpu.memref_slice %arg2[%dma_start3A_259, %dma_start3A_260] : memref<10016x16xf32, #tpu.memory_space<hbm>> -> memref<10016x16xf32, #tpu.memory_space<hbm>>
        tpu.enqueue_indirect_dma source(%dma_start3A_261 : memref<10016x16xf32, #tpu.memory_space<hbm>>) target(%arg15 : memref<128x16xf32, #tpu.memory_space<vmem>>) offsets(%dma_start3A_258 : memref<128xi32, #tpu.memory_space<vmem>>) semaphore(%arg22 : memref<!tpu.dma_semaphore, #tpu.memory_space<semaphore_mem>>)
      } else {
      }
      %add3A_146 = arith.constant 1 : i32
      %add3A_147 = arith.addi %mul3A_115, %add3A_146 : i32
      %dma_wait3A_148 = arith.constant 0 : i32
      %dma_wait3A_149 = arith.constant 0 : i32
      %dma_wait3A_150 = tpu.memref_slice %arg7[%dma_wait3A_148, %dma_wait3A_149] : memref<112x128xi32, #tpu.memory_space<vmem>> -> memref<1x128xi32, #tpu.memory_space<vmem>>
      %dma_wait3A_151 = tpu.memref_squeeze %dma_wait3A_150 : memref<1x128xi32, #tpu.memory_space<vmem>> -> memref<128xi32, #tpu.memory_space<vmem>>
      %dma_wait3A_152 = arith.constant 0 : i32
      %dma_wait3A_153 = arith.constant 0 : i32
      %dma_wait3A_154 = tpu.memref_slice %arg2[%dma_wait3A_152, %dma_wait3A_153] : memref<10016x16xf32, #tpu.memory_space<hbm>> -> memref<10016x16xf32, #tpu.memory_space<hbm>>
      tpu.wait_indirect_dma semaphore(%arg19 : memref<!tpu.dma_semaphore, #tpu.memory_space<semaphore_mem>>) src(%dma_wait3A_154 : memref<10016x16xf32, #tpu.memory_space<hbm>>) dst(%arg10 : memref<128x16xf32, #tpu.memory_space<vmem>>)
      %dma_wait3A_155 = arith.constant 0 : i32
      %dma_wait3A_156 = arith.constant 0 : i32
      %dma_wait3A_157 = tpu.memref_slice %arg8[%dma_wait3A_155, %dma_wait3A_156] : memref<112x128xi32, #tpu.memory_space<vmem>> -> memref<1x128xi32, #tpu.memory_space<vmem>>
      %dma_wait3A_158 = tpu.memref_squeeze %dma_wait3A_157 : memref<1x128xi32, #tpu.memory_space<vmem>> -> memref<128xi32, #tpu.memory_space<vmem>>
      %dma_wait3A_159 = arith.constant 0 : i32
      %dma_wait3A_160 = arith.constant 0 : i32
      %dma_wait3A_161 = tpu.memref_slice %arg2[%dma_wait3A_159, %dma_wait3A_160] : memref<10016x16xf32, #tpu.memory_space<hbm>> -> memref<10016x16xf32, #tpu.memory_space<hbm>>
      tpu.wait_indirect_dma semaphore(%arg20 : memref<!tpu.dma_semaphore, #tpu.memory_space<semaphore_mem>>) src(%dma_wait3A_161 : memref<10016x16xf32, #tpu.memory_space<hbm>>) dst(%arg14 : memref<128x16xf32, #tpu.memory_space<vmem>>)
      %add3A_162 = arith.addi %select_n3A_8, %add3A_147 : i32
      %mul3A_163 = arith.constant 128 : i32
      %mul3A_164 = arith.muli %add3A_162, %mul3A_163 : i32
      %dma_start3A_165 = arith.constant 0 : i32
      %dma_start3A_166 = tpu.memref_slice %arg5[%mul3A_164, %dma_start3A_165] : memref<327680x16xf32, #tpu.memory_space<hbm>> -> memref<128x16xf32, #tpu.memory_space<hbm>>
      %dma_start3A_167 = arith.constant 0 : i32
      %dma_start3A_168 = tpu.memref_slice %arg5[%mul3A_164, %dma_start3A_167] : memref<327680x16xf32, #tpu.memory_space<hbm>> -> memref<128x16xf32, #tpu.memory_space<hbm>>
      tpu.enqueue_dma source(%arg14 : memref<128x16xf32, #tpu.memory_space<vmem>>) target(%dma_start3A_168 : memref<128x16xf32, #tpu.memory_space<hbm>>) target_semaphore(%arg27 : memref<!tpu.dma_semaphore, #tpu.memory_space<semaphore_mem>>)
      %dma_start3A_169 = arith.constant 0 : i32
      %dma_start3A_170 = tpu.memref_slice %arg6[%mul3A_164, %dma_start3A_169] : memref<327680x16xf32, #tpu.memory_space<hbm>> -> memref<128x16xf32, #tpu.memory_space<hbm>>
      %dma_start3A_171 = arith.constant 0 : i32
      %dma_start3A_172 = tpu.memref_slice %arg6[%mul3A_164, %dma_start3A_171] : memref<327680x16xf32, #tpu.memory_space<hbm>> -> memref<128x16xf32, #tpu.memory_space<hbm>>
      tpu.enqueue_dma source(%arg10 : memref<128x16xf32, #tpu.memory_space<vmem>>) target(%dma_start3A_172 : memref<128x16xf32, #tpu.memory_space<hbm>>) target_semaphore(%arg28 : memref<!tpu.dma_semaphore, #tpu.memory_space<semaphore_mem>>)
      %add3A_173 = arith.constant 2 : i32
      %add3A_174 = arith.addi %add3A_147, %add3A_173 : i32
      %lt3A_175 = arith.cmpi slt, %add3A_174, %select_n3A : i32
      %convert_element_type3A_176 = arith.extui %lt3A_175 : i1 to i32
      %cond3A_177 = arith.constant 0 : i32
      %cond3A_178 = arith.cmpi ne, %convert_element_type3A_176, %cond3A_177 : i32
      scf.if %cond3A_178 {
        %ge3A = arith.constant 4 : i32
        %ge3A_246 = arith.cmpi sge, %add3A_174, %ge3A : i32
        %convert_element_type3A_247 = arith.extui %ge3A_246 : i1 to i32
        %cond3A_248 = arith.constant 0 : i32
        %cond3A_249 = arith.cmpi ne, %convert_element_type3A_247, %cond3A_248 : i32
        scf.if %cond3A_249 {
          %dma_wait3A_262 = arith.constant 0 : i32
          %dma_wait3A_263 = arith.constant 0 : i32
          %dma_wait3A_264 = tpu.memref_slice %arg5[%dma_wait3A_262, %dma_wait3A_263] : memref<327680x16xf32, #tpu.memory_space<hbm>> -> memref<128x16xf32, #tpu.memory_space<hbm>>
          %dma_wait3A_265 = arith.constant 0 : i32
          %dma_wait3A_266 = arith.constant 0 : i32
          %dma_wait3A_267 = tpu.memref_slice %arg5[%dma_wait3A_265, %dma_wait3A_266] : memref<327680x16xf32, #tpu.memory_space<hbm>> -> memref<128x16xf32, #tpu.memory_space<hbm>>
          tpu.wait_dma2 semaphore(%arg31 : memref<!tpu.dma_semaphore, #tpu.memory_space<semaphore_mem>>) src(%arg16 : memref<128x16xf32, #tpu.memory_space<vmem>>) dst(%dma_wait3A_267 : memref<128x16xf32, #tpu.memory_space<hbm>>)
          %dma_wait3A_268 = arith.constant 0 : i32
          %dma_wait3A_269 = arith.constant 0 : i32
          %dma_wait3A_270 = tpu.memref_slice %arg6[%dma_wait3A_268, %dma_wait3A_269] : memref<327680x16xf32, #tpu.memory_space<hbm>> -> memref<128x16xf32, #tpu.memory_space<hbm>>
          %dma_wait3A_271 = arith.constant 0 : i32
          %dma_wait3A_272 = arith.constant 0 : i32
          %dma_wait3A_273 = tpu.memref_slice %arg6[%dma_wait3A_271, %dma_wait3A_272] : memref<327680x16xf32, #tpu.memory_space<hbm>> -> memref<128x16xf32, #tpu.memory_space<hbm>>
          tpu.wait_dma2 semaphore(%arg32 : memref<!tpu.dma_semaphore, #tpu.memory_space<semaphore_mem>>) src(%arg12 : memref<128x16xf32, #tpu.memory_space<vmem>>) dst(%dma_wait3A_273 : memref<128x16xf32, #tpu.memory_space<hbm>>)
        } else {
        }
        %dma_start3A_250 = arith.constant 0 : i32
        %dma_start3A_251 = tpu.memref_slice %arg7[%add3A_174, %dma_start3A_250] : memref<112x128xi32, #tpu.memory_space<vmem>> -> memref<1x128xi32, #tpu.memory_space<vmem>>
        %dma_start3A_252 = tpu.memref_squeeze %dma_start3A_251 : memref<1x128xi32, #tpu.memory_space<vmem>> -> memref<128xi32, #tpu.memory_space<vmem>>
        %dma_start3A_253 = arith.constant 0 : i32
        %dma_start3A_254 = arith.constant 0 : i32
        %dma_start3A_255 = tpu.memref_slice %arg2[%dma_start3A_253, %dma_start3A_254] : memref<10016x16xf32, #tpu.memory_space<hbm>> -> memref<10016x16xf32, #tpu.memory_space<hbm>>
        tpu.enqueue_indirect_dma source(%dma_start3A_255 : memref<10016x16xf32, #tpu.memory_space<hbm>>) target(%arg12 : memref<128x16xf32, #tpu.memory_space<vmem>>) offsets(%dma_start3A_252 : memref<128xi32, #tpu.memory_space<vmem>>) semaphore(%arg23 : memref<!tpu.dma_semaphore, #tpu.memory_space<semaphore_mem>>)
        %dma_start3A_256 = arith.constant 0 : i32
        %dma_start3A_257 = tpu.memref_slice %arg8[%add3A_174, %dma_start3A_256] : memref<112x128xi32, #tpu.memory_space<vmem>> -> memref<1x128xi32, #tpu.memory_space<vmem>>
        %dma_start3A_258 = tpu.memref_squeeze %dma_start3A_257 : memref<1x128xi32, #tpu.memory_space<vmem>> -> memref<128xi32, #tpu.memory_space<vmem>>
        %dma_start3A_259 = arith.constant 0 : i32
        %dma_start3A_260 = arith.constant 0 : i32
        %dma_start3A_261 = tpu.memref_slice %arg2[%dma_start3A_259, %dma_start3A_260] : memref<10016x16xf32, #tpu.memory_space<hbm>> -> memref<10016x16xf32, #tpu.memory_space<hbm>>
        tpu.enqueue_indirect_dma source(%dma_start3A_261 : memref<10016x16xf32, #tpu.memory_space<hbm>>) target(%arg16 : memref<128x16xf32, #tpu.memory_space<vmem>>) offsets(%dma_start3A_258 : memref<128xi32, #tpu.memory_space<vmem>>) semaphore(%arg24 : memref<!tpu.dma_semaphore, #tpu.memory_space<semaphore_mem>>)
      } else {
      }
      %add3A_179 = arith.constant 2 : i32
      %add3A_180 = arith.addi %mul3A_115, %add3A_179 : i32
      %dma_wait3A_181 = arith.constant 0 : i32
      %dma_wait3A_182 = arith.constant 0 : i32
      %dma_wait3A_183 = tpu.memref_slice %arg7[%dma_wait3A_181, %dma_wait3A_182] : memref<112x128xi32, #tpu.memory_space<vmem>> -> memref<1x128xi32, #tpu.memory_space<vmem>>
      %dma_wait3A_184 = tpu.memref_squeeze %dma_wait3A_183 : memref<1x128xi32, #tpu.memory_space<vmem>> -> memref<128xi32, #tpu.memory_space<vmem>>
      %dma_wait3A_185 = arith.constant 0 : i32
      %dma_wait3A_186 = arith.constant 0 : i32
      %dma_wait3A_187 = tpu.memref_slice %arg2[%dma_wait3A_185, %dma_wait3A_186] : memref<10016x16xf32, #tpu.memory_space<hbm>> -> memref<10016x16xf32, #tpu.memory_space<hbm>>
      tpu.wait_indirect_dma semaphore(%arg21 : memref<!tpu.dma_semaphore, #tpu.memory_space<semaphore_mem>>) src(%dma_wait3A_187 : memref<10016x16xf32, #tpu.memory_space<hbm>>) dst(%arg11 : memref<128x16xf32, #tpu.memory_space<vmem>>)
      %dma_wait3A_188 = arith.constant 0 : i32
      %dma_wait3A_189 = arith.constant 0 : i32
      %dma_wait3A_190 = tpu.memref_slice %arg8[%dma_wait3A_188, %dma_wait3A_189] : memref<112x128xi32, #tpu.memory_space<vmem>> -> memref<1x128xi32, #tpu.memory_space<vmem>>
      %dma_wait3A_191 = tpu.memref_squeeze %dma_wait3A_190 : memref<1x128xi32, #tpu.memory_space<vmem>> -> memref<128xi32, #tpu.memory_space<vmem>>
      %dma_wait3A_192 = arith.constant 0 : i32
      %dma_wait3A_193 = arith.constant 0 : i32
      %dma_wait3A_194 = tpu.memref_slice %arg2[%dma_wait3A_192, %dma_wait3A_193] : memref<10016x16xf32, #tpu.memory_space<hbm>> -> memref<10016x16xf32, #tpu.memory_space<hbm>>
      tpu.wait_indirect_dma semaphore(%arg22 : memref<!tpu.dma_semaphore, #tpu.memory_space<semaphore_mem>>) src(%dma_wait3A_194 : memref<10016x16xf32, #tpu.memory_space<hbm>>) dst(%arg15 : memref<128x16xf32, #tpu.memory_space<vmem>>)
      %add3A_195 = arith.addi %select_n3A_8, %add3A_180 : i32
      %mul3A_196 = arith.constant 128 : i32
      %mul3A_197 = arith.muli %add3A_195, %mul3A_196 : i32
      %dma_start3A_198 = arith.constant 0 : i32
      %dma_start3A_199 = tpu.memref_slice %arg5[%mul3A_197, %dma_start3A_198] : memref<327680x16xf32, #tpu.memory_space<hbm>> -> memref<128x16xf32, #tpu.memory_space<hbm>>
      %dma_start3A_200 = arith.constant 0 : i32
      %dma_start3A_201 = tpu.memref_slice %arg5[%mul3A_197, %dma_start3A_200] : memref<327680x16xf32, #tpu.memory_space<hbm>> -> memref<128x16xf32, #tpu.memory_space<hbm>>
      tpu.enqueue_dma source(%arg15 : memref<128x16xf32, #tpu.memory_space<vmem>>) target(%dma_start3A_201 : memref<128x16xf32, #tpu.memory_space<hbm>>) target_semaphore(%arg29 : memref<!tpu.dma_semaphore, #tpu.memory_space<semaphore_mem>>)
      %dma_start3A_202 = arith.constant 0 : i32
      %dma_start3A_203 = tpu.memref_slice %arg6[%mul3A_197, %dma_start3A_202] : memref<327680x16xf32, #tpu.memory_space<hbm>> -> memref<128x16xf32, #tpu.memory_space<hbm>>
      %dma_start3A_204 = arith.constant 0 : i32
      %dma_start3A_205 = tpu.memref_slice %arg6[%mul3A_197, %dma_start3A_204] : memref<327680x16xf32, #tpu.memory_space<hbm>> -> memref<128x16xf32, #tpu.memory_space<hbm>>
      tpu.enqueue_dma source(%arg11 : memref<128x16xf32, #tpu.memory_space<vmem>>) target(%dma_start3A_205 : memref<128x16xf32, #tpu.memory_space<hbm>>) target_semaphore(%arg30 : memref<!tpu.dma_semaphore, #tpu.memory_space<semaphore_mem>>)
      %add3A_206 = arith.constant 2 : i32
      %add3A_207 = arith.addi %add3A_180, %add3A_206 : i32
      %lt3A_208 = arith.cmpi slt, %add3A_207, %select_n3A : i32
      %convert_element_type3A_209 = arith.extui %lt3A_208 : i1 to i32
      %cond3A_210 = arith.constant 0 : i32
      %cond3A_211 = arith.cmpi ne, %convert_element_type3A_209, %cond3A_210 : i32
      scf.if %cond3A_211 {
        %ge3A = arith.constant 4 : i32
        %ge3A_246 = arith.cmpi sge, %add3A_207, %ge3A : i32
        %convert_element_type3A_247 = arith.extui %ge3A_246 : i1 to i32
        %cond3A_248 = arith.constant 0 : i32
        %cond3A_249 = arith.cmpi ne, %convert_element_type3A_247, %cond3A_248 : i32
        scf.if %cond3A_249 {
          %dma_wait3A_262 = arith.constant 0 : i32
          %dma_wait3A_263 = arith.constant 0 : i32
          %dma_wait3A_264 = tpu.memref_slice %arg5[%dma_wait3A_262, %dma_wait3A_263] : memref<327680x16xf32, #tpu.memory_space<hbm>> -> memref<128x16xf32, #tpu.memory_space<hbm>>
          %dma_wait3A_265 = arith.constant 0 : i32
          %dma_wait3A_266 = arith.constant 0 : i32
          %dma_wait3A_267 = tpu.memref_slice %arg5[%dma_wait3A_265, %dma_wait3A_266] : memref<327680x16xf32, #tpu.memory_space<hbm>> -> memref<128x16xf32, #tpu.memory_space<hbm>>
          tpu.wait_dma2 semaphore(%arg25 : memref<!tpu.dma_semaphore, #tpu.memory_space<semaphore_mem>>) src(%arg13 : memref<128x16xf32, #tpu.memory_space<vmem>>) dst(%dma_wait3A_267 : memref<128x16xf32, #tpu.memory_space<hbm>>)
          %dma_wait3A_268 = arith.constant 0 : i32
          %dma_wait3A_269 = arith.constant 0 : i32
          %dma_wait3A_270 = tpu.memref_slice %arg6[%dma_wait3A_268, %dma_wait3A_269] : memref<327680x16xf32, #tpu.memory_space<hbm>> -> memref<128x16xf32, #tpu.memory_space<hbm>>
          %dma_wait3A_271 = arith.constant 0 : i32
          %dma_wait3A_272 = arith.constant 0 : i32
          %dma_wait3A_273 = tpu.memref_slice %arg6[%dma_wait3A_271, %dma_wait3A_272] : memref<327680x16xf32, #tpu.memory_space<hbm>> -> memref<128x16xf32, #tpu.memory_space<hbm>>
          tpu.wait_dma2 semaphore(%arg26 : memref<!tpu.dma_semaphore, #tpu.memory_space<semaphore_mem>>) src(%arg9 : memref<128x16xf32, #tpu.memory_space<vmem>>) dst(%dma_wait3A_273 : memref<128x16xf32, #tpu.memory_space<hbm>>)
        } else {
        }
        %dma_start3A_250 = arith.constant 0 : i32
        %dma_start3A_251 = tpu.memref_slice %arg7[%add3A_207, %dma_start3A_250] : memref<112x128xi32, #tpu.memory_space<vmem>> -> memref<1x128xi32, #tpu.memory_space<vmem>>
        %dma_start3A_252 = tpu.memref_squeeze %dma_start3A_251 : memref<1x128xi32, #tpu.memory_space<vmem>> -> memref<128xi32, #tpu.memory_space<vmem>>
        %dma_start3A_253 = arith.constant 0 : i32
        %dma_start3A_254 = arith.constant 0 : i32
        %dma_start3A_255 = tpu.memref_slice %arg2[%dma_start3A_253, %dma_start3A_254] : memref<10016x16xf32, #tpu.memory_space<hbm>> -> memref<10016x16xf32, #tpu.memory_space<hbm>>
        tpu.enqueue_indirect_dma source(%dma_start3A_255 : memref<10016x16xf32, #tpu.memory_space<hbm>>) target(%arg9 : memref<128x16xf32, #tpu.memory_space<vmem>>) offsets(%dma_start3A_252 : memref<128xi32, #tpu.memory_space<vmem>>) semaphore(%arg17 : memref<!tpu.dma_semaphore, #tpu.memory_space<semaphore_mem>>)
        %dma_start3A_256 = arith.constant 0 : i32
        %dma_start3A_257 = tpu.memref_slice %arg8[%add3A_207, %dma_start3A_256] : memref<112x128xi32, #tpu.memory_space<vmem>> -> memref<1x128xi32, #tpu.memory_space<vmem>>
        %dma_start3A_258 = tpu.memref_squeeze %dma_start3A_257 : memref<1x128xi32, #tpu.memory_space<vmem>> -> memref<128xi32, #tpu.memory_space<vmem>>
        %dma_start3A_259 = arith.constant 0 : i32
        %dma_start3A_260 = arith.constant 0 : i32
        %dma_start3A_261 = tpu.memref_slice %arg2[%dma_start3A_259, %dma_start3A_260] : memref<10016x16xf32, #tpu.memory_space<hbm>> -> memref<10016x16xf32, #tpu.memory_space<hbm>>
        tpu.enqueue_indirect_dma source(%dma_start3A_261 : memref<10016x16xf32, #tpu.memory_space<hbm>>) target(%arg13 : memref<128x16xf32, #tpu.memory_space<vmem>>) offsets(%dma_start3A_258 : memref<128xi32, #tpu.memory_space<vmem>>) semaphore(%arg18 : memref<!tpu.dma_semaphore, #tpu.memory_space<semaphore_mem>>)
      } else {
      }
      %add3A_212 = arith.constant 3 : i32
      %add3A_213 = arith.addi %mul3A_115, %add3A_212 : i32
      %dma_wait3A_214 = arith.constant 0 : i32
      %dma_wait3A_215 = arith.constant 0 : i32
      %dma_wait3A_216 = tpu.memref_slice %arg7[%dma_wait3A_214, %dma_wait3A_215] : memref<112x128xi32, #tpu.memory_space<vmem>> -> memref<1x128xi32, #tpu.memory_space<vmem>>
      %dma_wait3A_217 = tpu.memref_squeeze %dma_wait3A_216 : memref<1x128xi32, #tpu.memory_space<vmem>> -> memref<128xi32, #tpu.memory_space<vmem>>
      %dma_wait3A_218 = arith.constant 0 : i32
      %dma_wait3A_219 = arith.constant 0 : i32
      %dma_wait3A_220 = tpu.memref_slice %arg2[%dma_wait3A_218, %dma_wait3A_219] : memref<10016x16xf32, #tpu.memory_space<hbm>> -> memref<10016x16xf32, #tpu.memory_space<hbm>>
      tpu.wait_indirect_dma semaphore(%arg23 : memref<!tpu.dma_semaphore, #tpu.memory_space<semaphore_mem>>) src(%dma_wait3A_220 : memref<10016x16xf32, #tpu.memory_space<hbm>>) dst(%arg12 : memref<128x16xf32, #tpu.memory_space<vmem>>)
      %dma_wait3A_221 = arith.constant 0 : i32
      %dma_wait3A_222 = arith.constant 0 : i32
      %dma_wait3A_223 = tpu.memref_slice %arg8[%dma_wait3A_221, %dma_wait3A_222] : memref<112x128xi32, #tpu.memory_space<vmem>> -> memref<1x128xi32, #tpu.memory_space<vmem>>
      %dma_wait3A_224 = tpu.memref_squeeze %dma_wait3A_223 : memref<1x128xi32, #tpu.memory_space<vmem>> -> memref<128xi32, #tpu.memory_space<vmem>>
      %dma_wait3A_225 = arith.constant 0 : i32
      %dma_wait3A_226 = arith.constant 0 : i32
      %dma_wait3A_227 = tpu.memref_slice %arg2[%dma_wait3A_225, %dma_wait3A_226] : memref<10016x16xf32, #tpu.memory_space<hbm>> -> memref<10016x16xf32, #tpu.memory_space<hbm>>
      tpu.wait_indirect_dma semaphore(%arg24 : memref<!tpu.dma_semaphore, #tpu.memory_space<semaphore_mem>>) src(%dma_wait3A_227 : memref<10016x16xf32, #tpu.memory_space<hbm>>) dst(%arg16 : memref<128x16xf32, #tpu.memory_space<vmem>>)
      %add3A_228 = arith.addi %select_n3A_8, %add3A_213 : i32
      %mul3A_229 = arith.constant 128 : i32
      %mul3A_230 = arith.muli %add3A_228, %mul3A_229 : i32
      %dma_start3A_231 = arith.constant 0 : i32
      %dma_start3A_232 = tpu.memref_slice %arg5[%mul3A_230, %dma_start3A_231] : memref<327680x16xf32, #tpu.memory_space<hbm>> -> memref<128x16xf32, #tpu.memory_space<hbm>>
      %dma_start3A_233 = arith.constant 0 : i32
      %dma_start3A_234 = tpu.memref_slice %arg5[%mul3A_230, %dma_start3A_233] : memref<327680x16xf32, #tpu.memory_space<hbm>> -> memref<128x16xf32, #tpu.memory_space<hbm>>
      tpu.enqueue_dma source(%arg16 : memref<128x16xf32, #tpu.memory_space<vmem>>) target(%dma_start3A_234 : memref<128x16xf32, #tpu.memory_space<hbm>>) target_semaphore(%arg31 : memref<!tpu.dma_semaphore, #tpu.memory_space<semaphore_mem>>)
      %dma_start3A_235 = arith.constant 0 : i32
      %dma_start3A_236 = tpu.memref_slice %arg6[%mul3A_230, %dma_start3A_235] : memref<327680x16xf32, #tpu.memory_space<hbm>> -> memref<128x16xf32, #tpu.memory_space<hbm>>
      %dma_start3A_237 = arith.constant 0 : i32
      %dma_start3A_238 = tpu.memref_slice %arg6[%mul3A_230, %dma_start3A_237] : memref<327680x16xf32, #tpu.memory_space<hbm>> -> memref<128x16xf32, #tpu.memory_space<hbm>>
      tpu.enqueue_dma source(%arg12 : memref<128x16xf32, #tpu.memory_space<vmem>>) target(%dma_start3A_238 : memref<128x16xf32, #tpu.memory_space<hbm>>) target_semaphore(%arg32 : memref<!tpu.dma_semaphore, #tpu.memory_space<semaphore_mem>>)
      %add3A_239 = arith.constant 2 : i32
      %add3A_240 = arith.addi %add3A_213, %add3A_239 : i32
      %lt3A_241 = arith.cmpi slt, %add3A_240, %select_n3A : i32
      %convert_element_type3A_242 = arith.extui %lt3A_241 : i1 to i32
      %cond3A_243 = arith.constant 0 : i32
      %cond3A_244 = arith.cmpi ne, %convert_element_type3A_242, %cond3A_243 : i32
      scf.if %cond3A_244 {
        %ge3A = arith.constant 4 : i32
        %ge3A_246 = arith.cmpi sge, %add3A_240, %ge3A : i32
        %convert_element_type3A_247 = arith.extui %ge3A_246 : i1 to i32
        %cond3A_248 = arith.constant 0 : i32
        %cond3A_249 = arith.cmpi ne, %convert_element_type3A_247, %cond3A_248 : i32
        scf.if %cond3A_249 {
          %dma_wait3A_262 = arith.constant 0 : i32
          %dma_wait3A_263 = arith.constant 0 : i32
          %dma_wait3A_264 = tpu.memref_slice %arg5[%dma_wait3A_262, %dma_wait3A_263] : memref<327680x16xf32, #tpu.memory_space<hbm>> -> memref<128x16xf32, #tpu.memory_space<hbm>>
          %dma_wait3A_265 = arith.constant 0 : i32
          %dma_wait3A_266 = arith.constant 0 : i32
          %dma_wait3A_267 = tpu.memref_slice %arg5[%dma_wait3A_265, %dma_wait3A_266] : memref<327680x16xf32, #tpu.memory_space<hbm>> -> memref<128x16xf32, #tpu.memory_space<hbm>>
          tpu.wait_dma2 semaphore(%arg27 : memref<!tpu.dma_semaphore, #tpu.memory_space<semaphore_mem>>) src(%arg14 : memref<128x16xf32, #tpu.memory_space<vmem>>) dst(%dma_wait3A_267 : memref<128x16xf32, #tpu.memory_space<hbm>>)
          %dma_wait3A_268 = arith.constant 0 : i32
          %dma_wait3A_269 = arith.constant 0 : i32
          %dma_wait3A_270 = tpu.memref_slice %arg6[%dma_wait3A_268, %dma_wait3A_269] : memref<327680x16xf32, #tpu.memory_space<hbm>> -> memref<128x16xf32, #tpu.memory_space<hbm>>
          %dma_wait3A_271 = arith.constant 0 : i32
          %dma_wait3A_272 = arith.constant 0 : i32
          %dma_wait3A_273 = tpu.memref_slice %arg6[%dma_wait3A_271, %dma_wait3A_272] : memref<327680x16xf32, #tpu.memory_space<hbm>> -> memref<128x16xf32, #tpu.memory_space<hbm>>
          tpu.wait_dma2 semaphore(%arg28 : memref<!tpu.dma_semaphore, #tpu.memory_space<semaphore_mem>>) src(%arg10 : memref<128x16xf32, #tpu.memory_space<vmem>>) dst(%dma_wait3A_273 : memref<128x16xf32, #tpu.memory_space<hbm>>)
        } else {
        }
        %dma_start3A_250 = arith.constant 0 : i32
        %dma_start3A_251 = tpu.memref_slice %arg7[%add3A_240, %dma_start3A_250] : memref<112x128xi32, #tpu.memory_space<vmem>> -> memref<1x128xi32, #tpu.memory_space<vmem>>
        %dma_start3A_252 = tpu.memref_squeeze %dma_start3A_251 : memref<1x128xi32, #tpu.memory_space<vmem>> -> memref<128xi32, #tpu.memory_space<vmem>>
        %dma_start3A_253 = arith.constant 0 : i32
        %dma_start3A_254 = arith.constant 0 : i32
        %dma_start3A_255 = tpu.memref_slice %arg2[%dma_start3A_253, %dma_start3A_254] : memref<10016x16xf32, #tpu.memory_space<hbm>> -> memref<10016x16xf32, #tpu.memory_space<hbm>>
        tpu.enqueue_indirect_dma source(%dma_start3A_255 : memref<10016x16xf32, #tpu.memory_space<hbm>>) target(%arg10 : memref<128x16xf32, #tpu.memory_space<vmem>>) offsets(%dma_start3A_252 : memref<128xi32, #tpu.memory_space<vmem>>) semaphore(%arg19 : memref<!tpu.dma_semaphore, #tpu.memory_space<semaphore_mem>>)
        %dma_start3A_256 = arith.constant 0 : i32
        %dma_start3A_257 = tpu.memref_slice %arg8[%add3A_240, %dma_start3A_256] : memref<112x128xi32, #tpu.memory_space<vmem>> -> memref<1x128xi32, #tpu.memory_space<vmem>>
        %dma_start3A_258 = tpu.memref_squeeze %dma_start3A_257 : memref<1x128xi32, #tpu.memory_space<vmem>> -> memref<128xi32, #tpu.memory_space<vmem>>
        %dma_start3A_259 = arith.constant 0 : i32
        %dma_start3A_260 = arith.constant 0 : i32
        %dma_start3A_261 = tpu.memref_slice %arg2[%dma_start3A_259, %dma_start3A_260] : memref<10016x16xf32, #tpu.memory_space<hbm>> -> memref<10016x16xf32, #tpu.memory_space<hbm>>
        tpu.enqueue_indirect_dma source(%dma_start3A_261 : memref<10016x16xf32, #tpu.memory_space<hbm>>) target(%arg14 : memref<128x16xf32, #tpu.memory_space<vmem>>) offsets(%dma_start3A_258 : memref<128xi32, #tpu.memory_space<vmem>>) semaphore(%arg20 : memref<!tpu.dma_semaphore, #tpu.memory_space<semaphore_mem>>)
      } else {
      }
      %while3A_245 = arith.constant 0 : i32
      scf.yield %while3A_245 : i32
    }
    %dma_wait3A = arith.constant 0 : i32
    %dma_wait3A_65 = arith.constant 0 : i32
    %dma_wait3A_66 = tpu.memref_slice %arg5[%dma_wait3A, %dma_wait3A_65] : memref<327680x16xf32, #tpu.memory_space<hbm>> -> memref<128x16xf32, #tpu.memory_space<hbm>>
    %dma_wait3A_67 = arith.constant 0 : i32
    %dma_wait3A_68 = arith.constant 0 : i32
    %dma_wait3A_69 = tpu.memref_slice %arg5[%dma_wait3A_67, %dma_wait3A_68] : memref<327680x16xf32, #tpu.memory_space<hbm>> -> memref<128x16xf32, #tpu.memory_space<hbm>>
    tpu.wait_dma2 semaphore(%arg25 : memref<!tpu.dma_semaphore, #tpu.memory_space<semaphore_mem>>) src(%arg13 : memref<128x16xf32, #tpu.memory_space<vmem>>) dst(%dma_wait3A_69 : memref<128x16xf32, #tpu.memory_space<hbm>>)
    %dma_wait3A_70 = arith.constant 0 : i32
    %dma_wait3A_71 = arith.constant 0 : i32
    %dma_wait3A_72 = tpu.memref_slice %arg6[%dma_wait3A_70, %dma_wait3A_71] : memref<327680x16xf32, #tpu.memory_space<hbm>> -> memref<128x16xf32, #tpu.memory_space<hbm>>
    %dma_wait3A_73 = arith.constant 0 : i32
    %dma_wait3A_74 = arith.constant 0 : i32
    %dma_wait3A_75 = tpu.memref_slice %arg6[%dma_wait3A_73, %dma_wait3A_74] : memref<327680x16xf32, #tpu.memory_space<hbm>> -> memref<128x16xf32, #tpu.memory_space<hbm>>
    tpu.wait_dma2 semaphore(%arg26 : memref<!tpu.dma_semaphore, #tpu.memory_space<semaphore_mem>>) src(%arg9 : memref<128x16xf32, #tpu.memory_space<vmem>>) dst(%dma_wait3A_75 : memref<128x16xf32, #tpu.memory_space<hbm>>)
    %dma_wait3A_76 = arith.constant 0 : i32
    %dma_wait3A_77 = arith.constant 0 : i32
    %dma_wait3A_78 = tpu.memref_slice %arg5[%dma_wait3A_76, %dma_wait3A_77] : memref<327680x16xf32, #tpu.memory_space<hbm>> -> memref<128x16xf32, #tpu.memory_space<hbm>>
    %dma_wait3A_79 = arith.constant 0 : i32
    %dma_wait3A_80 = arith.constant 0 : i32
    %dma_wait3A_81 = tpu.memref_slice %arg5[%dma_wait3A_79, %dma_wait3A_80] : memref<327680x16xf32, #tpu.memory_space<hbm>> -> memref<128x16xf32, #tpu.memory_space<hbm>>
    tpu.wait_dma2 semaphore(%arg27 : memref<!tpu.dma_semaphore, #tpu.memory_space<semaphore_mem>>) src(%arg14 : memref<128x16xf32, #tpu.memory_space<vmem>>) dst(%dma_wait3A_81 : memref<128x16xf32, #tpu.memory_space<hbm>>)
    %dma_wait3A_82 = arith.constant 0 : i32
    %dma_wait3A_83 = arith.constant 0 : i32
    %dma_wait3A_84 = tpu.memref_slice %arg6[%dma_wait3A_82, %dma_wait3A_83] : memref<327680x16xf32, #tpu.memory_space<hbm>> -> memref<128x16xf32, #tpu.memory_space<hbm>>
    %dma_wait3A_85 = arith.constant 0 : i32
    %dma_wait3A_86 = arith.constant 0 : i32
    %dma_wait3A_87 = tpu.memref_slice %arg6[%dma_wait3A_85, %dma_wait3A_86] : memref<327680x16xf32, #tpu.memory_space<hbm>> -> memref<128x16xf32, #tpu.memory_space<hbm>>
    tpu.wait_dma2 semaphore(%arg28 : memref<!tpu.dma_semaphore, #tpu.memory_space<semaphore_mem>>) src(%arg10 : memref<128x16xf32, #tpu.memory_space<vmem>>) dst(%dma_wait3A_87 : memref<128x16xf32, #tpu.memory_space<hbm>>)
    %dma_wait3A_88 = arith.constant 0 : i32
    %dma_wait3A_89 = arith.constant 0 : i32
    %dma_wait3A_90 = tpu.memref_slice %arg5[%dma_wait3A_88, %dma_wait3A_89] : memref<327680x16xf32, #tpu.memory_space<hbm>> -> memref<128x16xf32, #tpu.memory_space<hbm>>
    %dma_wait3A_91 = arith.constant 0 : i32
    %dma_wait3A_92 = arith.constant 0 : i32
    %dma_wait3A_93 = tpu.memref_slice %arg5[%dma_wait3A_91, %dma_wait3A_92] : memref<327680x16xf32, #tpu.memory_space<hbm>> -> memref<128x16xf32, #tpu.memory_space<hbm>>
    tpu.wait_dma2 semaphore(%arg29 : memref<!tpu.dma_semaphore, #tpu.memory_space<semaphore_mem>>) src(%arg15 : memref<128x16xf32, #tpu.memory_space<vmem>>) dst(%dma_wait3A_93 : memref<128x16xf32, #tpu.memory_space<hbm>>)
    %dma_wait3A_94 = arith.constant 0 : i32
    %dma_wait3A_95 = arith.constant 0 : i32
    %dma_wait3A_96 = tpu.memref_slice %arg6[%dma_wait3A_94, %dma_wait3A_95] : memref<327680x16xf32, #tpu.memory_space<hbm>> -> memref<128x16xf32, #tpu.memory_space<hbm>>
    %dma_wait3A_97 = arith.constant 0 : i32
    %dma_wait3A_98 = arith.constant 0 : i32
    %dma_wait3A_99 = tpu.memref_slice %arg6[%dma_wait3A_97, %dma_wait3A_98] : memref<327680x16xf32, #tpu.memory_space<hbm>> -> memref<128x16xf32, #tpu.memory_space<hbm>>
    tpu.wait_dma2 semaphore(%arg30 : memref<!tpu.dma_semaphore, #tpu.memory_space<semaphore_mem>>) src(%arg11 : memref<128x16xf32, #tpu.memory_space<vmem>>) dst(%dma_wait3A_99 : memref<128x16xf32, #tpu.memory_space<hbm>>)
    %dma_wait3A_100 = arith.constant 0 : i32
    %dma_wait3A_101 = arith.constant 0 : i32
    %dma_wait3A_102 = tpu.memref_slice %arg5[%dma_wait3A_100, %dma_wait3A_101] : memref<327680x16xf32, #tpu.memory_space<hbm>> -> memref<128x16xf32, #tpu.memory_space<hbm>>
    %dma_wait3A_103 = arith.constant 0 : i32
    %dma_wait3A_104 = arith.constant 0 : i32
    %dma_wait3A_105 = tpu.memref_slice %arg5[%dma_wait3A_103, %dma_wait3A_104] : memref<327680x16xf32, #tpu.memory_space<hbm>> -> memref<128x16xf32, #tpu.memory_space<hbm>>
    tpu.wait_dma2 semaphore(%arg31 : memref<!tpu.dma_semaphore, #tpu.memory_space<semaphore_mem>>) src(%arg16 : memref<128x16xf32, #tpu.memory_space<vmem>>) dst(%dma_wait3A_105 : memref<128x16xf32, #tpu.memory_space<hbm>>)
    %dma_wait3A_106 = arith.constant 0 : i32
    %dma_wait3A_107 = arith.constant 0 : i32
    %dma_wait3A_108 = tpu.memref_slice %arg6[%dma_wait3A_106, %dma_wait3A_107] : memref<327680x16xf32, #tpu.memory_space<hbm>> -> memref<128x16xf32, #tpu.memory_space<hbm>>
    %dma_wait3A_109 = arith.constant 0 : i32
    %dma_wait3A_110 = arith.constant 0 : i32
    %dma_wait3A_111 = tpu.memref_slice %arg6[%dma_wait3A_109, %dma_wait3A_110] : memref<327680x16xf32, #tpu.memory_space<hbm>> -> memref<128x16xf32, #tpu.memory_space<hbm>>
    tpu.wait_dma2 semaphore(%arg32 : memref<!tpu.dma_semaphore, #tpu.memory_space<semaphore_mem>>) src(%arg12 : memref<128x16xf32, #tpu.memory_space<vmem>>) dst(%dma_wait3A_111 : memref<128x16xf32, #tpu.memory_space<hbm>>)
    return
  }
}

#map = affine_map<(d0, d1) -> (0, 0)>
#map1 = affine_map<(d0, d1) -> (0, 0, 0)>
module attributes {stable_mosaic.version = 14 : i64} {
  func.func @_scatter_kernel(%arg0: i32, %arg1: i32, %arg2: memref<327680x128xf32, #tpu.memory_space<hbm>>, %arg3: memref<2560x128xi32, #tpu.memory_space<hbm>>, %arg4: memref<632x128xf32, #tpu.memory_space<hbm>>, %arg5: memref<2x10112x128xf32, #tpu.memory_space<hbm>>, %arg6: memref<10112x128xf32, #tpu.memory_space<vmem_shared>>, %arg7: memref<80x128xi32, #tpu.memory_space<vmem>>, %arg8: memref<128x128xf32, #tpu.memory_space<vmem>>, %arg9: memref<128x128xf32, #tpu.memory_space<vmem>>, %arg10: memref<!tpu.dma_semaphore, #tpu.memory_space<semaphore_mem>>, %arg11: memref<!tpu.dma_semaphore, #tpu.memory_space<semaphore_mem>>, %arg12: memref<!tpu.dma_semaphore, #tpu.memory_space<semaphore_mem>>, %arg13: memref<!tpu.dma_semaphore, #tpu.memory_space<semaphore_mem>>) attributes {dimension_semantics = [#tpu.dimension_semantics<core_parallel>, #tpu.dimension_semantics<subcore_parallel>], iteration_bounds = array<i64: 2, 16>, scalar_prefetch = 0 : i64, scratch_operands = 8 : i64, tpu.core_type = #tpu.core_type<sc_vector_subcore>, window_params = [{transform_indices = #map}, {transform_indices = #map}, {transform_indices = #map}, {transform_indices = #map1}]} {
    %mul3A = arith.constant 2 : i32
    %mul3A_0 = arith.muli %arg1, %mul3A : i32
    %add3A = arith.addi %mul3A_0, %arg0 : i32
    %mul3A_1 = arith.constant 632 : i32
    %mul3A_2 = arith.muli %arg1, %mul3A_1 : i32
    "tpu.region"() ({
      %run_scoped3A = tpu.sem_alloc : memref<!tpu.dma_semaphore, #tpu.memory_space<semaphore_mem>>
      %dma_start3A_44 = arith.constant 0 : i32
      %dma_start3A_45 = tpu.memref_slice %arg6[%mul3A_2, %dma_start3A_44] : memref<10112x128xf32, #tpu.memory_space<vmem_shared>> -> memref<632x128xf32, #tpu.memory_space<vmem_shared>>
      tpu.enqueue_dma source(%arg4 : memref<632x128xf32, #tpu.memory_space<hbm>>) target(%dma_start3A_45 : memref<632x128xf32, #tpu.memory_space<vmem_shared>>) target_semaphore(%run_scoped3A : memref<!tpu.dma_semaphore, #tpu.memory_space<semaphore_mem>>)
      %dma_wait3A_46 = arith.constant 0 : i32
      %dma_wait3A_47 = tpu.memref_slice %arg6[%mul3A_2, %dma_wait3A_46] : memref<10112x128xf32, #tpu.memory_space<vmem_shared>> -> memref<632x128xf32, #tpu.memory_space<vmem_shared>>
      tpu.wait_dma2 semaphore(%run_scoped3A : memref<!tpu.dma_semaphore, #tpu.memory_space<semaphore_mem>>) src(%arg4 : memref<632x128xf32, #tpu.memory_space<hbm>>) dst(%dma_wait3A_47 : memref<632x128xf32, #tpu.memory_space<vmem_shared>>)
      tpu.yield
    }) : () -> ()
    %mul3A_3 = arith.constant 80 : i32
    %mul3A_4 = arith.muli %add3A, %mul3A_3 : i32
    "tpu.region"() ({
      %run_scoped3A = tpu.sem_alloc : memref<!tpu.dma_semaphore, #tpu.memory_space<semaphore_mem>>
      %dma_start3A_44 = arith.constant 0 : i32
      %dma_start3A_45 = tpu.memref_slice %arg3[%mul3A_4, %dma_start3A_44] : memref<2560x128xi32, #tpu.memory_space<hbm>> -> memref<80x128xi32, #tpu.memory_space<hbm>>
      %dma_start3A_46 = arith.constant 0 : i32
      %dma_start3A_47 = tpu.memref_slice %arg3[%mul3A_4, %dma_start3A_46] : memref<2560x128xi32, #tpu.memory_space<hbm>> -> memref<80x128xi32, #tpu.memory_space<hbm>>
      tpu.enqueue_dma source(%dma_start3A_47 : memref<80x128xi32, #tpu.memory_space<hbm>>) target(%arg7 : memref<80x128xi32, #tpu.memory_space<vmem>>) target_semaphore(%run_scoped3A : memref<!tpu.dma_semaphore, #tpu.memory_space<semaphore_mem>>)
      %dma_wait3A_48 = arith.constant 0 : i32
      %dma_wait3A_49 = tpu.memref_slice %arg3[%mul3A_4, %dma_wait3A_48] : memref<2560x128xi32, #tpu.memory_space<hbm>> -> memref<80x128xi32, #tpu.memory_space<hbm>>
      %dma_wait3A_50 = arith.constant 0 : i32
      %dma_wait3A_51 = tpu.memref_slice %arg3[%mul3A_4, %dma_wait3A_50] : memref<2560x128xi32, #tpu.memory_space<hbm>> -> memref<80x128xi32, #tpu.memory_space<hbm>>
      tpu.wait_dma2 semaphore(%run_scoped3A : memref<!tpu.dma_semaphore, #tpu.memory_space<semaphore_mem>>) src(%dma_wait3A_51 : memref<80x128xi32, #tpu.memory_space<hbm>>) dst(%arg7 : memref<80x128xi32, #tpu.memory_space<vmem>>)
      tpu.yield
    }) : () -> ()
    %barrier3A = arith.constant 0 : index
    tpu.barrier barrier_id(%barrier3A)
    %mul3A_5 = arith.constant 80 : i32
    %mul3A_6 = arith.muli %add3A, %mul3A_5 : i32
    %add3A_7 = arith.constant 0 : i32
    %add3A_8 = arith.addi %mul3A_6, %add3A_7 : i32
    %mul3A_9 = arith.constant 128 : i32
    %mul3A_10 = arith.muli %add3A_8, %mul3A_9 : i32
    %dma_start3A = arith.constant 0 : i32
    %dma_start3A_11 = tpu.memref_slice %arg2[%mul3A_10, %dma_start3A] : memref<327680x128xf32, #tpu.memory_space<hbm>> -> memref<128x128xf32, #tpu.memory_space<hbm>>
    %dma_start3A_12 = arith.constant 0 : i32
    %dma_start3A_13 = tpu.memref_slice %arg2[%mul3A_10, %dma_start3A_12] : memref<327680x128xf32, #tpu.memory_space<hbm>> -> memref<128x128xf32, #tpu.memory_space<hbm>>
    tpu.enqueue_dma source(%dma_start3A_13 : memref<128x128xf32, #tpu.memory_space<hbm>>) target(%arg8 : memref<128x128xf32, #tpu.memory_space<vmem>>) target_semaphore(%arg10 : memref<!tpu.dma_semaphore, #tpu.memory_space<semaphore_mem>>)
    %mul3A_14 = arith.constant 80 : i32
    %mul3A_15 = arith.muli %add3A, %mul3A_14 : i32
    %add3A_16 = arith.constant 1 : i32
    %add3A_17 = arith.addi %mul3A_15, %add3A_16 : i32
    %mul3A_18 = arith.constant 128 : i32
    %mul3A_19 = arith.muli %add3A_17, %mul3A_18 : i32
    %dma_start3A_20 = arith.constant 0 : i32
    %dma_start3A_21 = tpu.memref_slice %arg2[%mul3A_19, %dma_start3A_20] : memref<327680x128xf32, #tpu.memory_space<hbm>> -> memref<128x128xf32, #tpu.memory_space<hbm>>
    %dma_start3A_22 = arith.constant 0 : i32
    %dma_start3A_23 = tpu.memref_slice %arg2[%mul3A_19, %dma_start3A_22] : memref<327680x128xf32, #tpu.memory_space<hbm>> -> memref<128x128xf32, #tpu.memory_space<hbm>>
    tpu.enqueue_dma source(%dma_start3A_23 : memref<128x128xf32, #tpu.memory_space<hbm>>) target(%arg9 : memref<128x128xf32, #tpu.memory_space<vmem>>) target_semaphore(%arg11 : memref<!tpu.dma_semaphore, #tpu.memory_space<semaphore_mem>>)
    %scan3A = arith.constant 0 : i32
    %scan3A_24 = arith.constant 0 : i32
    %scan3A_25 = arith.constant 40 : i32
    %scan3A_26 = arith.addi %scan3A_24, %scan3A_25 : i32
    %scan3A_27 = arith.constant 1 : i32
    %scan3A_28 = scf.for %scan3A_44 = %scan3A_24 to %scan3A_26 step %scan3A_27 iter_args(%scan3A_45 = %scan3A) -> (i32)  : i32 {
      %mul3A_46 = arith.constant 2 : i32
      %mul3A_47 = arith.muli %scan3A_44, %mul3A_46 : i32
      %add3A_48 = arith.constant 0 : i32
      %add3A_49 = arith.addi %mul3A_47, %add3A_48 : i32
      %dma_wait3A_50 = arith.constant 0 : i32
      %dma_wait3A_51 = arith.constant 0 : i32
      %dma_wait3A_52 = tpu.memref_slice %arg2[%dma_wait3A_50, %dma_wait3A_51] : memref<327680x128xf32, #tpu.memory_space<hbm>> -> memref<128x128xf32, #tpu.memory_space<hbm>>
      %dma_wait3A_53 = arith.constant 0 : i32
      %dma_wait3A_54 = arith.constant 0 : i32
      %dma_wait3A_55 = tpu.memref_slice %arg2[%dma_wait3A_53, %dma_wait3A_54] : memref<327680x128xf32, #tpu.memory_space<hbm>> -> memref<128x128xf32, #tpu.memory_space<hbm>>
      tpu.wait_dma2 semaphore(%arg10 : memref<!tpu.dma_semaphore, #tpu.memory_space<semaphore_mem>>) src(%dma_wait3A_55 : memref<128x128xf32, #tpu.memory_space<hbm>>) dst(%arg8 : memref<128x128xf32, #tpu.memory_space<vmem>>)
      %dma_start3A_56 = arith.constant 0 : i32
      %dma_start3A_57 = tpu.memref_slice %arg7[%add3A_49, %dma_start3A_56] : memref<80x128xi32, #tpu.memory_space<vmem>> -> memref<1x128xi32, #tpu.memory_space<vmem>>
      %dma_start3A_58 = tpu.memref_squeeze %dma_start3A_57 : memref<1x128xi32, #tpu.memory_space<vmem>> -> memref<128xi32, #tpu.memory_space<vmem>>
      %dma_start3A_59 = arith.constant 0 : i32
      %dma_start3A_60 = arith.constant 0 : i32
      %dma_start3A_61 = tpu.memref_slice %arg6[%dma_start3A_59, %dma_start3A_60] : memref<10112x128xf32, #tpu.memory_space<vmem_shared>> -> memref<10112x128xf32, #tpu.memory_space<vmem_shared>>
      tpu.enqueue_indirect_dma source(%arg8 : memref<128x128xf32, #tpu.memory_space<vmem>>) target(%dma_start3A_61 : memref<10112x128xf32, #tpu.memory_space<vmem_shared>>) offsets(%dma_start3A_58 : memref<128xi32, #tpu.memory_space<vmem>>) semaphore(%arg12 : memref<!tpu.dma_semaphore, #tpu.memory_space<semaphore_mem>>) {add = true}
      %add3A_62 = arith.constant 2 : i32
      %add3A_63 = arith.addi %add3A_49, %add3A_62 : i32
      %lt3A = arith.constant 80 : i32
      %lt3A_64 = arith.cmpi slt, %add3A_63, %lt3A : i32
      %convert_element_type3A = arith.extui %lt3A_64 : i1 to i32
      %cond3A = arith.constant 0 : i32
      %cond3A_65 = arith.cmpi ne, %convert_element_type3A, %cond3A : i32
      scf.if %cond3A_65 {
        %dma_wait3A_88 = arith.constant 0 : i32
        %dma_wait3A_89 = arith.constant 0 : i32
        %dma_wait3A_90 = tpu.memref_slice %arg7[%dma_wait3A_88, %dma_wait3A_89] : memref<80x128xi32, #tpu.memory_space<vmem>> -> memref<1x128xi32, #tpu.memory_space<vmem>>
        %dma_wait3A_91 = tpu.memref_squeeze %dma_wait3A_90 : memref<1x128xi32, #tpu.memory_space<vmem>> -> memref<128xi32, #tpu.memory_space<vmem>>
        %dma_wait3A_92 = arith.constant 0 : i32
        %dma_wait3A_93 = arith.constant 0 : i32
        %dma_wait3A_94 = tpu.memref_slice %arg6[%dma_wait3A_92, %dma_wait3A_93] : memref<10112x128xf32, #tpu.memory_space<vmem_shared>> -> memref<10112x128xf32, #tpu.memory_space<vmem_shared>>
        tpu.wait_indirect_dma semaphore(%arg12 : memref<!tpu.dma_semaphore, #tpu.memory_space<semaphore_mem>>) src(%arg8 : memref<128x128xf32, #tpu.memory_space<vmem>>) dst(%dma_wait3A_94 : memref<10112x128xf32, #tpu.memory_space<vmem_shared>>)
        %add3A_95 = arith.constant 2 : i32
        %add3A_96 = arith.addi %add3A_49, %add3A_95 : i32
        %mul3A_97 = arith.constant 80 : i32
        %mul3A_98 = arith.muli %add3A, %mul3A_97 : i32
        %add3A_99 = arith.addi %mul3A_98, %add3A_96 : i32
        %mul3A_100 = arith.constant 128 : i32
        %mul3A_101 = arith.muli %add3A_99, %mul3A_100 : i32
        %dma_start3A_102 = arith.constant 0 : i32
        %dma_start3A_103 = tpu.memref_slice %arg2[%mul3A_101, %dma_start3A_102] : memref<327680x128xf32, #tpu.memory_space<hbm>> -> memref<128x128xf32, #tpu.memory_space<hbm>>
        %dma_start3A_104 = arith.constant 0 : i32
        %dma_start3A_105 = tpu.memref_slice %arg2[%mul3A_101, %dma_start3A_104] : memref<327680x128xf32, #tpu.memory_space<hbm>> -> memref<128x128xf32, #tpu.memory_space<hbm>>
        tpu.enqueue_dma source(%dma_start3A_105 : memref<128x128xf32, #tpu.memory_space<hbm>>) target(%arg8 : memref<128x128xf32, #tpu.memory_space<vmem>>) target_semaphore(%arg10 : memref<!tpu.dma_semaphore, #tpu.memory_space<semaphore_mem>>)
      } else {
      }
      %add3A_66 = arith.constant 1 : i32
      %add3A_67 = arith.addi %mul3A_47, %add3A_66 : i32
      %dma_wait3A_68 = arith.constant 0 : i32
      %dma_wait3A_69 = arith.constant 0 : i32
      %dma_wait3A_70 = tpu.memref_slice %arg2[%dma_wait3A_68, %dma_wait3A_69] : memref<327680x128xf32, #tpu.memory_space<hbm>> -> memref<128x128xf32, #tpu.memory_space<hbm>>
      %dma_wait3A_71 = arith.constant 0 : i32
      %dma_wait3A_72 = arith.constant 0 : i32
      %dma_wait3A_73 = tpu.memref_slice %arg2[%dma_wait3A_71, %dma_wait3A_72] : memref<327680x128xf32, #tpu.memory_space<hbm>> -> memref<128x128xf32, #tpu.memory_space<hbm>>
      tpu.wait_dma2 semaphore(%arg11 : memref<!tpu.dma_semaphore, #tpu.memory_space<semaphore_mem>>) src(%dma_wait3A_73 : memref<128x128xf32, #tpu.memory_space<hbm>>) dst(%arg9 : memref<128x128xf32, #tpu.memory_space<vmem>>)
      %dma_start3A_74 = arith.constant 0 : i32
      %dma_start3A_75 = tpu.memref_slice %arg7[%add3A_67, %dma_start3A_74] : memref<80x128xi32, #tpu.memory_space<vmem>> -> memref<1x128xi32, #tpu.memory_space<vmem>>
      %dma_start3A_76 = tpu.memref_squeeze %dma_start3A_75 : memref<1x128xi32, #tpu.memory_space<vmem>> -> memref<128xi32, #tpu.memory_space<vmem>>
      %dma_start3A_77 = arith.constant 0 : i32
      %dma_start3A_78 = arith.constant 0 : i32
      %dma_start3A_79 = tpu.memref_slice %arg6[%dma_start3A_77, %dma_start3A_78] : memref<10112x128xf32, #tpu.memory_space<vmem_shared>> -> memref<10112x128xf32, #tpu.memory_space<vmem_shared>>
      tpu.enqueue_indirect_dma source(%arg9 : memref<128x128xf32, #tpu.memory_space<vmem>>) target(%dma_start3A_79 : memref<10112x128xf32, #tpu.memory_space<vmem_shared>>) offsets(%dma_start3A_76 : memref<128xi32, #tpu.memory_space<vmem>>) semaphore(%arg13 : memref<!tpu.dma_semaphore, #tpu.memory_space<semaphore_mem>>) {add = true}
      %add3A_80 = arith.constant 2 : i32
      %add3A_81 = arith.addi %add3A_67, %add3A_80 : i32
      %lt3A_82 = arith.constant 80 : i32
      %lt3A_83 = arith.cmpi slt, %add3A_81, %lt3A_82 : i32
      %convert_element_type3A_84 = arith.extui %lt3A_83 : i1 to i32
      %cond3A_85 = arith.constant 0 : i32
      %cond3A_86 = arith.cmpi ne, %convert_element_type3A_84, %cond3A_85 : i32
      scf.if %cond3A_86 {
        %dma_wait3A_88 = arith.constant 0 : i32
        %dma_wait3A_89 = arith.constant 0 : i32
        %dma_wait3A_90 = tpu.memref_slice %arg7[%dma_wait3A_88, %dma_wait3A_89] : memref<80x128xi32, #tpu.memory_space<vmem>> -> memref<1x128xi32, #tpu.memory_space<vmem>>
        %dma_wait3A_91 = tpu.memref_squeeze %dma_wait3A_90 : memref<1x128xi32, #tpu.memory_space<vmem>> -> memref<128xi32, #tpu.memory_space<vmem>>
        %dma_wait3A_92 = arith.constant 0 : i32
        %dma_wait3A_93 = arith.constant 0 : i32
        %dma_wait3A_94 = tpu.memref_slice %arg6[%dma_wait3A_92, %dma_wait3A_93] : memref<10112x128xf32, #tpu.memory_space<vmem_shared>> -> memref<10112x128xf32, #tpu.memory_space<vmem_shared>>
        tpu.wait_indirect_dma semaphore(%arg13 : memref<!tpu.dma_semaphore, #tpu.memory_space<semaphore_mem>>) src(%arg9 : memref<128x128xf32, #tpu.memory_space<vmem>>) dst(%dma_wait3A_94 : memref<10112x128xf32, #tpu.memory_space<vmem_shared>>)
        %add3A_95 = arith.constant 2 : i32
        %add3A_96 = arith.addi %add3A_67, %add3A_95 : i32
        %mul3A_97 = arith.constant 80 : i32
        %mul3A_98 = arith.muli %add3A, %mul3A_97 : i32
        %add3A_99 = arith.addi %mul3A_98, %add3A_96 : i32
        %mul3A_100 = arith.constant 128 : i32
        %mul3A_101 = arith.muli %add3A_99, %mul3A_100 : i32
        %dma_start3A_102 = arith.constant 0 : i32
        %dma_start3A_103 = tpu.memref_slice %arg2[%mul3A_101, %dma_start3A_102] : memref<327680x128xf32, #tpu.memory_space<hbm>> -> memref<128x128xf32, #tpu.memory_space<hbm>>
        %dma_start3A_104 = arith.constant 0 : i32
        %dma_start3A_105 = tpu.memref_slice %arg2[%mul3A_101, %dma_start3A_104] : memref<327680x128xf32, #tpu.memory_space<hbm>> -> memref<128x128xf32, #tpu.memory_space<hbm>>
        tpu.enqueue_dma source(%dma_start3A_105 : memref<128x128xf32, #tpu.memory_space<hbm>>) target(%arg9 : memref<128x128xf32, #tpu.memory_space<vmem>>) target_semaphore(%arg11 : memref<!tpu.dma_semaphore, #tpu.memory_space<semaphore_mem>>)
      } else {
      }
      %scan3A_87 = arith.constant 0 : i32
      scf.yield %scan3A_87 : i32
    }
    %scan3A_29 = arith.constant 40 : i32
    %dma_wait3A = arith.constant 0 : i32
    %dma_wait3A_30 = arith.constant 0 : i32
    %dma_wait3A_31 = tpu.memref_slice %arg7[%dma_wait3A, %dma_wait3A_30] : memref<80x128xi32, #tpu.memory_space<vmem>> -> memref<1x128xi32, #tpu.memory_space<vmem>>
    %dma_wait3A_32 = tpu.memref_squeeze %dma_wait3A_31 : memref<1x128xi32, #tpu.memory_space<vmem>> -> memref<128xi32, #tpu.memory_space<vmem>>
    %dma_wait3A_33 = arith.constant 0 : i32
    %dma_wait3A_34 = arith.constant 0 : i32
    %dma_wait3A_35 = tpu.memref_slice %arg6[%dma_wait3A_33, %dma_wait3A_34] : memref<10112x128xf32, #tpu.memory_space<vmem_shared>> -> memref<10112x128xf32, #tpu.memory_space<vmem_shared>>
    tpu.wait_indirect_dma semaphore(%arg12 : memref<!tpu.dma_semaphore, #tpu.memory_space<semaphore_mem>>) src(%arg8 : memref<128x128xf32, #tpu.memory_space<vmem>>) dst(%dma_wait3A_35 : memref<10112x128xf32, #tpu.memory_space<vmem_shared>>)
    %dma_wait3A_36 = arith.constant 0 : i32
    %dma_wait3A_37 = arith.constant 0 : i32
    %dma_wait3A_38 = tpu.memref_slice %arg7[%dma_wait3A_36, %dma_wait3A_37] : memref<80x128xi32, #tpu.memory_space<vmem>> -> memref<1x128xi32, #tpu.memory_space<vmem>>
    %dma_wait3A_39 = tpu.memref_squeeze %dma_wait3A_38 : memref<1x128xi32, #tpu.memory_space<vmem>> -> memref<128xi32, #tpu.memory_space<vmem>>
    %dma_wait3A_40 = arith.constant 0 : i32
    %dma_wait3A_41 = arith.constant 0 : i32
    %dma_wait3A_42 = tpu.memref_slice %arg6[%dma_wait3A_40, %dma_wait3A_41] : memref<10112x128xf32, #tpu.memory_space<vmem_shared>> -> memref<10112x128xf32, #tpu.memory_space<vmem_shared>>
    tpu.wait_indirect_dma semaphore(%arg13 : memref<!tpu.dma_semaphore, #tpu.memory_space<semaphore_mem>>) src(%arg9 : memref<128x128xf32, #tpu.memory_space<vmem>>) dst(%dma_wait3A_42 : memref<10112x128xf32, #tpu.memory_space<vmem_shared>>)
    %barrier3A_43 = arith.constant 0 : index
    tpu.barrier barrier_id(%barrier3A_43)
    "tpu.region"() ({
      %run_scoped3A = tpu.sem_alloc : memref<!tpu.dma_semaphore, #tpu.memory_space<semaphore_mem>>
      %dma_start3A_44 = arith.constant 0 : i32
      %dma_start3A_45 = tpu.memref_slice %arg5[%arg0, %mul3A_2, %dma_start3A_44] : memref<2x10112x128xf32, #tpu.memory_space<hbm>> -> memref<1x632x128xf32, #tpu.memory_space<hbm>>
      %dma_start3A_46 = tpu.memref_squeeze %dma_start3A_45 : memref<1x632x128xf32, #tpu.memory_space<hbm>> -> memref<632x128xf32, #tpu.memory_space<hbm>>
      %dma_start3A_47 = arith.constant 0 : i32
      %dma_start3A_48 = tpu.memref_slice %arg6[%mul3A_2, %dma_start3A_47] : memref<10112x128xf32, #tpu.memory_space<vmem_shared>> -> memref<632x128xf32, #tpu.memory_space<vmem_shared>>
      tpu.enqueue_dma source(%dma_start3A_48 : memref<632x128xf32, #tpu.memory_space<vmem_shared>>) target(%dma_start3A_46 : memref<632x128xf32, #tpu.memory_space<hbm>>) target_semaphore(%run_scoped3A : memref<!tpu.dma_semaphore, #tpu.memory_space<semaphore_mem>>)
      %dma_wait3A_49 = arith.constant 0 : i32
      %dma_wait3A_50 = tpu.memref_slice %arg5[%arg0, %mul3A_2, %dma_wait3A_49] : memref<2x10112x128xf32, #tpu.memory_space<hbm>> -> memref<1x632x128xf32, #tpu.memory_space<hbm>>
      %dma_wait3A_51 = tpu.memref_squeeze %dma_wait3A_50 : memref<1x632x128xf32, #tpu.memory_space<hbm>> -> memref<632x128xf32, #tpu.memory_space<hbm>>
      %dma_wait3A_52 = arith.constant 0 : i32
      %dma_wait3A_53 = tpu.memref_slice %arg6[%mul3A_2, %dma_wait3A_52] : memref<10112x128xf32, #tpu.memory_space<vmem_shared>> -> memref<632x128xf32, #tpu.memory_space<vmem_shared>>
      tpu.wait_dma2 semaphore(%run_scoped3A : memref<!tpu.dma_semaphore, #tpu.memory_space<semaphore_mem>>) src(%dma_wait3A_53 : memref<632x128xf32, #tpu.memory_space<vmem_shared>>) dst(%dma_wait3A_51 : memref<632x128xf32, #tpu.memory_space<hbm>>)
      tpu.yield
    }) : () -> ()
    return
  }
}

module attributes {stable_mosaic.version = 14 : i64} {
  func.func @_prep_kernel(%arg0: memref<10000x6xf32, #tpu.memory_space<vmem>>, %arg1: memref<10000x1xf32, #tpu.memory_space<vmem>>, %arg2: memref<10016x16xf32, #tpu.memory_space<vmem>>) attributes {dimension_semantics = [], scalar_prefetch = 0 : i64, scratch_operands = 0 : i64, tpu.core_type = #tpu.core_type<tc>} {
    %get3A = arith.constant 0 : index
    %get3A_0 = arith.constant 0 : index
    %get3A_1 = vector.load %arg0[%get3A, %get3A_0] : memref<10000x6xf32, #tpu.memory_space<vmem>>, vector<10000x6xf32>
    %get3A_2 = arith.constant 0 : index
    %get3A_3 = arith.constant 0 : index
    %get3A_4 = vector.load %arg1[%get3A_2, %get3A_3] : memref<10000x1xf32, #tpu.memory_space<vmem>>, vector<10000x1xf32>
    %slice3A = vector.extract_strided_slice %get3A_1 {offsets = [0, 0], sizes = [10000, 2], strides = [1, 1]} : vector<10000x6xf32> to vector<10000x2xf32>
    %slice3A_5 = vector.extract_strided_slice %get3A_1 {offsets = [0, 2], sizes = [10000, 1], strides = [1, 1]} : vector<10000x6xf32> to vector<10000x1xf32>
    %mul3A = arith.constant -0.0106666666 : f32
    %mul3A_6 = vector.broadcast %mul3A : f32 to vector<10000x1xf32>
    %mul3A_7 = arith.mulf %get3A_4, %mul3A_6 : vector<10000x1xf32>
    %sub3A = arith.subf %slice3A_5, %mul3A_7 : vector<10000x1xf32>
    %slice3A_8 = vector.extract_strided_slice %get3A_1 {offsets = [0, 3], sizes = [10000, 3], strides = [1, 1]} : vector<10000x6xf32> to vector<10000x3xf32>
    %broadcast_in_dim3A = arith.constant 0.000000e+00 : f32
    %broadcast_in_dim3A_9 = vector.broadcast %broadcast_in_dim3A : f32 to vector<10000x9xf32>
    %concatenate3A = tpu.concatenate %slice3A, %sub3A, %slice3A_8, %get3A_4, %broadcast_in_dim3A_9 in 1 : vector<10000x2xf32>, vector<10000x1xf32>, vector<10000x3xf32>, vector<10000x1xf32>, vector<10000x9xf32> -> vector<10000x16xf32>
    %broadcast_in_dim3A_10 = arith.constant 0.000000e+00 : f32
    %broadcast_in_dim3A_11 = vector.broadcast %broadcast_in_dim3A_10 : f32 to vector<16x16xf32>
    %concatenate3A_12 = tpu.concatenate %concatenate3A, %broadcast_in_dim3A_11 in 0 : vector<10000x16xf32>, vector<16x16xf32> -> vector<10016x16xf32>
    %swap3A = arith.constant 0 : index
    %swap3A_13 = arith.constant 0 : index
    %swap3A_14 = vector.load %arg2[%swap3A, %swap3A_13] : memref<10016x16xf32, #tpu.memory_space<vmem>>, vector<10016x16xf32>
    tpu.vector_store %arg2[%swap3A, %swap3A_13], %concatenate3A_12 {strides = array<i32>} : memref<10016x16xf32, #tpu.memory_space<vmem>>, vector<10016x16xf32>,
    return
  }
}

module attributes {stable_mosaic.version = 14 : i64} {
  func.func @_edge_mlp_kernel(%arg0: i32, %arg1: memref<512x128xf32, #tpu.memory_space<vmem>>, %arg2: memref<512x128xf32, #tpu.memory_space<vmem>>, %arg3: memref<16x128xf32, #tpu.memory_space<vmem>>, %arg4: memref<1x128xf32, #tpu.memory_space<vmem>>, %arg5: memref<128x128xf32, #tpu.memory_space<vmem>>, %arg6: memref<1x128xf32, #tpu.memory_space<vmem>>, %arg7: memref<128x128xf32, #tpu.memory_space<vmem>>, %arg8: memref<1x128xf32, #tpu.memory_space<vmem>>, %arg9: memref<128x128xf32, #tpu.memory_space<vmem>>, %arg10: memref<1x128xf32, #tpu.memory_space<vmem>>, %arg11: memref<4096x128xf32, #tpu.memory_space<vmem>>) attributes {dimension_semantics = [#tpu.dimension_semantics<arbitrary>], iteration_bounds = array<i64: 80>, scalar_prefetch = 0 : i64, scratch_operands = 0 : i64, tpu.core_type = #tpu.core_type<tc>, window_params = [{transform_indices = @transform_0, window_bounds = array<i64: 512, 128>}, {transform_indices = @transform_1, window_bounds = array<i64: 512, 128>}, {pipeline_mode = #tpu.pipeline_mode<synchronous>, transform_indices = @transform_2, window_bounds = array<i64: 16, 128>}, {pipeline_mode = #tpu.pipeline_mode<synchronous>, transform_indices = @transform_3, window_bounds = array<i64: 1, 128>}, {pipeline_mode = #tpu.pipeline_mode<synchronous>, transform_indices = @transform_4, window_bounds = array<i64: 128, 128>}, {pipeline_mode = #tpu.pipeline_mode<synchronous>, transform_indices = @transform_5, window_bounds = array<i64: 1, 128>}, {pipeline_mode = #tpu.pipeline_mode<synchronous>, transform_indices = @transform_6, window_bounds = array<i64: 128, 128>}, {pipeline_mode = #tpu.pipeline_mode<synchronous>, transform_indices = @transform_7, window_bounds = array<i64: 1, 128>}, {pipeline_mode = #tpu.pipeline_mode<synchronous>, transform_indices = @transform_8, window_bounds = array<i64: 128, 128>}, {pipeline_mode = #tpu.pipeline_mode<synchronous>, transform_indices = @transform_9, window_bounds = array<i64: 1, 128>}, {transform_indices = @transform_10, window_bounds = array<i64: 4096, 128>}]} {
    %get3A = arith.constant 0 : index
    %get3A_0 = arith.constant 0 : index
    %get3A_1 = vector.load %arg1[%get3A, %get3A_0] : memref<512x128xf32, #tpu.memory_space<vmem>>, vector<512x128xf32>
    %get3A_2 = arith.constant 0 : index
    %get3A_3 = arith.constant 0 : index
    %get3A_4 = vector.load %arg2[%get3A_2, %get3A_3] : memref<512x128xf32, #tpu.memory_space<vmem>>, vector<512x128xf32>
    %sub3A = arith.subf %get3A_1, %get3A_4 : vector<512x128xf32>
    %slice3A = vector.extract_strided_slice %sub3A {offsets = [0, 0], sizes = [512, 16], strides = [1, 1]} : vector<512x128xf32> to vector<512x16xf32>
    %get3A_5 = arith.constant 0 : index
    %get3A_6 = arith.constant 0 : index
    %get3A_7 = vector.load %arg3[%get3A_5, %get3A_6] : memref<16x128xf32, #tpu.memory_space<vmem>>, vector<16x128xf32>
    %dot_general3A = arith.constant dense<0.000000e+00> : vector<512x128xf32>
    %dot_general3A_8 = tpu.matmul %slice3A, %get3A_7, %dot_general3A {dimension_numbers = #tpu.dot_dimension_numbers<[1], [0], [0], [1], [0, 0, 1, 1], [], []>, transpose_lhs_hint = false} : vector<512x16xf32>, vector<16x128xf32>, vector<512x128xf32> -> vector<512x128xf32>
    %slice3A_9 = vector.extract_strided_slice %sub3A {offsets = [0, 16], sizes = [512, 16], strides = [1, 1]} : vector<512x128xf32> to vector<512x16xf32>
    %get3A_10 = arith.constant 0 : index
    %get3A_11 = arith.constant 0 : index
    %get3A_12 = vector.load %arg3[%get3A_10, %get3A_11] : memref<16x128xf32, #tpu.memory_space<vmem>>, vector<16x128xf32>
    %dot_general3A_13 = arith.constant dense<0.000000e+00> : vector<512x128xf32>
    %dot_general3A_14 = tpu.matmul %slice3A_9, %get3A_12, %dot_general3A_13 {dimension_numbers = #tpu.dot_dimension_numbers<[1], [0], [0], [1], [0, 0, 1, 1], [], []>, transpose_lhs_hint = false} : vector<512x16xf32>, vector<16x128xf32>, vector<512x128xf32> -> vector<512x128xf32>
    %slice3A_15 = vector.extract_strided_slice %sub3A {offsets = [0, 32], sizes = [512, 16], strides = [1, 1]} : vector<512x128xf32> to vector<512x16xf32>
    %get3A_16 = arith.constant 0 : index
    %get3A_17 = arith.constant 0 : index
    %get3A_18 = vector.load %arg3[%get3A_16, %get3A_17] : memref<16x128xf32, #tpu.memory_space<vmem>>, vector<16x128xf32>
    %dot_general3A_19 = arith.constant dense<0.000000e+00> : vector<512x128xf32>
    %dot_general3A_20 = tpu.matmul %slice3A_15, %get3A_18, %dot_general3A_19 {dimension_numbers = #tpu.dot_dimension_numbers<[1], [0], [0], [1], [0, 0, 1, 1], [], []>, transpose_lhs_hint = false} : vector<512x16xf32>, vector<16x128xf32>, vector<512x128xf32> -> vector<512x128xf32>
    %slice3A_21 = vector.extract_strided_slice %sub3A {offsets = [0, 48], sizes = [512, 16], strides = [1, 1]} : vector<512x128xf32> to vector<512x16xf32>
    %get3A_22 = arith.constant 0 : index
    %get3A_23 = arith.constant 0 : index
    %get3A_24 = vector.load %arg3[%get3A_22, %get3A_23] : memref<16x128xf32, #tpu.memory_space<vmem>>, vector<16x128xf32>
    %dot_general3A_25 = arith.constant dense<0.000000e+00> : vector<512x128xf32>
    %dot_general3A_26 = tpu.matmul %slice3A_21, %get3A_24, %dot_general3A_25 {dimension_numbers = #tpu.dot_dimension_numbers<[1], [0], [0], [1], [0, 0, 1, 1], [], []>, transpose_lhs_hint = false} : vector<512x16xf32>, vector<16x128xf32>, vector<512x128xf32> -> vector<512x128xf32>
    %slice3A_27 = vector.extract_strided_slice %sub3A {offsets = [0, 64], sizes = [512, 16], strides = [1, 1]} : vector<512x128xf32> to vector<512x16xf32>
    %get3A_28 = arith.constant 0 : index
    %get3A_29 = arith.constant 0 : index
    %get3A_30 = vector.load %arg3[%get3A_28, %get3A_29] : memref<16x128xf32, #tpu.memory_space<vmem>>, vector<16x128xf32>
    %dot_general3A_31 = arith.constant dense<0.000000e+00> : vector<512x128xf32>
    %dot_general3A_32 = tpu.matmul %slice3A_27, %get3A_30, %dot_general3A_31 {dimension_numbers = #tpu.dot_dimension_numbers<[1], [0], [0], [1], [0, 0, 1, 1], [], []>, transpose_lhs_hint = false} : vector<512x16xf32>, vector<16x128xf32>, vector<512x128xf32> -> vector<512x128xf32>
    %slice3A_33 = vector.extract_strided_slice %sub3A {offsets = [0, 80], sizes = [512, 16], strides = [1, 1]} : vector<512x128xf32> to vector<512x16xf32>
    %get3A_34 = arith.constant 0 : index
    %get3A_35 = arith.constant 0 : index
    %get3A_36 = vector.load %arg3[%get3A_34, %get3A_35] : memref<16x128xf32, #tpu.memory_space<vmem>>, vector<16x128xf32>
    %dot_general3A_37 = arith.constant dense<0.000000e+00> : vector<512x128xf32>
    %dot_general3A_38 = tpu.matmul %slice3A_33, %get3A_36, %dot_general3A_37 {dimension_numbers = #tpu.dot_dimension_numbers<[1], [0], [0], [1], [0, 0, 1, 1], [], []>, transpose_lhs_hint = false} : vector<512x16xf32>, vector<16x128xf32>, vector<512x128xf32> -> vector<512x128xf32>
    %slice3A_39 = vector.extract_strided_slice %sub3A {offsets = [0, 96], sizes = [512, 16], strides = [1, 1]} : vector<512x128xf32> to vector<512x16xf32>
    %get3A_40 = arith.constant 0 : index
    %get3A_41 = arith.constant 0 : index
    %get3A_42 = vector.load %arg3[%get3A_40, %get3A_41] : memref<16x128xf32, #tpu.memory_space<vmem>>, vector<16x128xf32>
    %dot_general3A_43 = arith.constant dense<0.000000e+00> : vector<512x128xf32>
    %dot_general3A_44 = tpu.matmul %slice3A_39, %get3A_42, %dot_general3A_43 {dimension_numbers = #tpu.dot_dimension_numbers<[1], [0], [0], [1], [0, 0, 1, 1], [], []>, transpose_lhs_hint = false} : vector<512x16xf32>, vector<16x128xf32>, vector<512x128xf32> -> vector<512x128xf32>
    %slice3A_45 = vector.extract_strided_slice %sub3A {offsets = [0, 112], sizes = [512, 16], strides = [1, 1]} : vector<512x128xf32> to vector<512x16xf32>
    %get3A_46 = arith.constant 0 : index
    %get3A_47 = arith.constant 0 : index
    %get3A_48 = vector.load %arg3[%get3A_46, %get3A_47] : memref<16x128xf32, #tpu.memory_space<vmem>>, vector<16x128xf32>
    %dot_general3A_49 = arith.constant dense<0.000000e+00> : vector<512x128xf32>
    %dot_general3A_50 = tpu.matmul %slice3A_45, %get3A_48, %dot_general3A_49 {dimension_numbers = #tpu.dot_dimension_numbers<[1], [0], [0], [1], [0, 0, 1, 1], [], []>, transpose_lhs_hint = false} : vector<512x16xf32>, vector<16x128xf32>, vector<512x128xf32> -> vector<512x128xf32>
    %concatenate3A = tpu.concatenate %dot_general3A_8, %dot_general3A_14, %dot_general3A_20, %dot_general3A_26, %dot_general3A_32, %dot_general3A_38, %dot_general3A_44, %dot_general3A_50 in 0 : vector<512x128xf32>, vector<512x128xf32>, vector<512x128xf32>, vector<512x128xf32>, vector<512x128xf32>, vector<512x128xf32>, vector<512x128xf32>, vector<512x128xf32> -> vector<4096x128xf32>
    %get3A_51 = arith.constant 0 : index
    %get3A_52 = arith.constant 0 : index
    %get3A_53 = vector.load %arg4[%get3A_51, %get3A_52] : memref<1x128xf32, #tpu.memory_space<vmem>>, vector<1x128xf32>
    %add3A = vector.broadcast %get3A_53 : vector<1x128xf32> to vector<4096x128xf32>
    %add3A_54 = arith.addf %concatenate3A, %add3A : vector<4096x128xf32>
    %max3A = arith.constant 0.000000e+00 : f32
    %max3A_55 = vector.broadcast %max3A : f32 to vector<4096x128xf32>
    %max3A_56 = arith.maximumf %add3A_54, %max3A_55 : vector<4096x128xf32>
    %get3A_57 = arith.constant 0 : index
    %get3A_58 = arith.constant 0 : index
    %get3A_59 = vector.load %arg5[%get3A_57, %get3A_58] : memref<128x128xf32, #tpu.memory_space<vmem>>, vector<128x128xf32>
    %dot_general3A_60 = arith.constant dense<0.000000e+00> : vector<4096x128xf32>
    %dot_general3A_61 = tpu.matmul %max3A_56, %get3A_59, %dot_general3A_60 {dimension_numbers = #tpu.dot_dimension_numbers<[1], [0], [0], [1], [0, 0, 1, 1], [], []>, transpose_lhs_hint = false} : vector<4096x128xf32>, vector<128x128xf32>, vector<4096x128xf32> -> vector<4096x128xf32>
    %get3A_62 = arith.constant 0 : index
    %get3A_63 = arith.constant 0 : index
    %get3A_64 = vector.load %arg6[%get3A_62, %get3A_63] : memref<1x128xf32, #tpu.memory_space<vmem>>, vector<1x128xf32>
    %add3A_65 = vector.broadcast %get3A_64 : vector<1x128xf32> to vector<4096x128xf32>
    %add3A_66 = arith.addf %dot_general3A_61, %add3A_65 : vector<4096x128xf32>
    %max3A_67 = arith.constant 0.000000e+00 : f32
    %max3A_68 = vector.broadcast %max3A_67 : f32 to vector<4096x128xf32>
    %max3A_69 = arith.maximumf %add3A_66, %max3A_68 : vector<4096x128xf32>
    %get3A_70 = arith.constant 0 : index
    %get3A_71 = arith.constant 0 : index
    %get3A_72 = vector.load %arg7[%get3A_70, %get3A_71] : memref<128x128xf32, #tpu.memory_space<vmem>>, vector<128x128xf32>
    %dot_general3A_73 = arith.constant dense<0.000000e+00> : vector<4096x128xf32>
    %dot_general3A_74 = tpu.matmul %max3A_69, %get3A_72, %dot_general3A_73 {dimension_numbers = #tpu.dot_dimension_numbers<[1], [0], [0], [1], [0, 0, 1, 1], [], []>, transpose_lhs_hint = false} : vector<4096x128xf32>, vector<128x128xf32>, vector<4096x128xf32> -> vector<4096x128xf32>
    %get3A_75 = arith.constant 0 : index
    %get3A_76 = arith.constant 0 : index
    %get3A_77 = vector.load %arg8[%get3A_75, %get3A_76] : memref<1x128xf32, #tpu.memory_space<vmem>>, vector<1x128xf32>
    %add3A_78 = vector.broadcast %get3A_77 : vector<1x128xf32> to vector<4096x128xf32>
    %add3A_79 = arith.addf %dot_general3A_74, %add3A_78 : vector<4096x128xf32>
    %max3A_80 = arith.constant 0.000000e+00 : f32
    %max3A_81 = vector.broadcast %max3A_80 : f32 to vector<4096x128xf32>
    %max3A_82 = arith.maximumf %add3A_79, %max3A_81 : vector<4096x128xf32>
    %get3A_83 = arith.constant 0 : index
    %get3A_84 = arith.constant 0 : index
    %get3A_85 = vector.load %arg9[%get3A_83, %get3A_84] : memref<128x128xf32, #tpu.memory_space<vmem>>, vector<128x128xf32>
    %dot_general3A_86 = arith.constant dense<0.000000e+00> : vector<4096x128xf32>
    %dot_general3A_87 = tpu.matmul %max3A_82, %get3A_85, %dot_general3A_86 {dimension_numbers = #tpu.dot_dimension_numbers<[1], [0], [0], [1], [0, 0, 1, 1], [], []>, transpose_lhs_hint = false} : vector<4096x128xf32>, vector<128x128xf32>, vector<4096x128xf32> -> vector<4096x128xf32>
    %get3A_88 = arith.constant 0 : index
    %get3A_89 = arith.constant 0 : index
    %get3A_90 = vector.load %arg10[%get3A_88, %get3A_89] : memref<1x128xf32, #tpu.memory_space<vmem>>, vector<1x128xf32>
    %add3A_91 = vector.broadcast %get3A_90 : vector<1x128xf32> to vector<4096x128xf32>
    %add3A_92 = arith.addf %dot_general3A_87, %add3A_91 : vector<4096x128xf32>
    %swap3A = arith.constant 0 : index
    %swap3A_93 = arith.constant 0 : index
    %swap3A_94 = vector.load %arg11[%swap3A, %swap3A_93] : memref<4096x128xf32, #tpu.memory_space<vmem>>, vector<4096x128xf32>
    tpu.vector_store %arg11[%swap3A, %swap3A_93], %add3A_92 {strides = array<i32>} : memref<4096x128xf32, #tpu.memory_space<vmem>>, vector<4096x128xf32>,
    return
  }
  func.func @transform_0(%arg0: i32) -> (i32, i32) {
    %c0_i32 = arith.constant 0 : i32
    %c0_i32_0 = arith.constant 0 : i32
    return %arg0, %c0_i32 : i32, i32
  }
  func.func @transform_1(%arg0: i32) -> (i32, i32) {
    %c0_i32 = arith.constant 0 : i32
    %c0_i32_0 = arith.constant 0 : i32
    return %arg0, %c0_i32 : i32, i32
  }
  func.func @transform_2(%arg0: i32) -> (i32, i32) {
    %c0_i32 = arith.constant 0 : i32
    %c0_i32_0 = arith.constant 0 : i32
    %c0_i32_1 = arith.constant 0 : i32
    return %c0_i32, %c0_i32_0 : i32, i32
  }
  func.func @transform_3(%arg0: i32) -> (i32, i32) {
    %c0_i32 = arith.constant 0 : i32
    %c0_i32_0 = arith.constant 0 : i32
    %c0_i32_1 = arith.constant 0 : i32
    return %c0_i32, %c0_i32_0 : i32, i32
  }
  func.func @transform_4(%arg0: i32) -> (i32, i32) {
    %c0_i32 = arith.constant 0 : i32
    %c0_i32_0 = arith.constant 0 : i32
    %c0_i32_1 = arith.constant 0 : i32
    return %c0_i32, %c0_i32_0 : i32, i32
  }
  func.func @transform_5(%arg0: i32) -> (i32, i32) {
    %c0_i32 = arith.constant 0 : i32
    %c0_i32_0 = arith.constant 0 : i32
    %c0_i32_1 = arith.constant 0 : i32
    return %c0_i32, %c0_i32_0 : i32, i32
  }
  func.func @transform_6(%arg0: i32) -> (i32, i32) {
    %c0_i32 = arith.constant 0 : i32
    %c0_i32_0 = arith.constant 0 : i32
    %c0_i32_1 = arith.constant 0 : i32
    return %c0_i32, %c0_i32_0 : i32, i32
  }
  func.func @transform_7(%arg0: i32) -> (i32, i32) {
    %c0_i32 = arith.constant 0 : i32
    %c0_i32_0 = arith.constant 0 : i32
    %c0_i32_1 = arith.constant 0 : i32
    return %c0_i32, %c0_i32_0 : i32, i32
  }
  func.func @transform_8(%arg0: i32) -> (i32, i32) {
    %c0_i32 = arith.constant 0 : i32
    %c0_i32_0 = arith.constant 0 : i32
    %c0_i32_1 = arith.constant 0 : i32
    return %c0_i32, %c0_i32_0 : i32, i32
  }
  func.func @transform_9(%arg0: i32) -> (i32, i32) {
    %c0_i32 = arith.constant 0 : i32
    %c0_i32_0 = arith.constant 0 : i32
    %c0_i32_1 = arith.constant 0 : i32
    return %c0_i32, %c0_i32_0 : i32, i32
  }
  func.func @transform_10(%arg0: i32) -> (i32, i32) {
    %c0_i32 = arith.constant 0 : i32
    %c0_i32_0 = arith.constant 0 : i32
    return %arg0, %c0_i32 : i32, i32
  }
}

module attributes {stable_mosaic.version = 14 : i64} {
  func.func @_node_mlp_kernel(%arg0: i32, %arg1: memref<2000x6xf32, #tpu.memory_space<vmem>>, %arg2: memref<2000x1xf32, #tpu.memory_space<vmem>>, %arg3: memref<2000x128xf32, #tpu.memory_space<vmem>>, %arg4: memref<2000x128xf32, #tpu.memory_space<vmem>>, %arg5: memref<8x128xf32, #tpu.memory_space<vmem>>, %arg6: memref<128x128xf32, #tpu.memory_space<vmem>>, %arg7: memref<1x128xf32, #tpu.memory_space<vmem>>, %arg8: memref<128x128xf32, #tpu.memory_space<vmem>>, %arg9: memref<1x128xf32, #tpu.memory_space<vmem>>, %arg10: memref<128x128xf32, #tpu.memory_space<vmem>>, %arg11: memref<1x128xf32, #tpu.memory_space<vmem>>, %arg12: memref<128x8xf32, #tpu.memory_space<vmem>>, %arg13: memref<1x8xf32, #tpu.memory_space<vmem>>, %arg14: memref<2000x8xf32, #tpu.memory_space<vmem>>) attributes {dimension_semantics = [#tpu.dimension_semantics<arbitrary>], iteration_bounds = array<i64: 5>, scalar_prefetch = 0 : i64, scratch_operands = 0 : i64, tpu.core_type = #tpu.core_type<tc>, window_params = [{transform_indices = @transform_0, window_bounds = array<i64: 2000, 6>}, {transform_indices = @transform_1, window_bounds = array<i64: 2000, 1>}, {transform_indices = @transform_2, window_bounds = array<i64: 2000, 128>}, {transform_indices = @transform_3, window_bounds = array<i64: 2000, 128>}, {pipeline_mode = #tpu.pipeline_mode<synchronous>, transform_indices = @transform_4, window_bounds = array<i64: 8, 128>}, {pipeline_mode = #tpu.pipeline_mode<synchronous>, transform_indices = @transform_5, window_bounds = array<i64: 128, 128>}, {pipeline_mode = #tpu.pipeline_mode<synchronous>, transform_indices = @transform_6, window_bounds = array<i64: 1, 128>}, {pipeline_mode = #tpu.pipeline_mode<synchronous>, transform_indices = @transform_7, window_bounds = array<i64: 128, 128>}, {pipeline_mode = #tpu.pipeline_mode<synchronous>, transform_indices = @transform_8, window_bounds = array<i64: 1, 128>}, {pipeline_mode = #tpu.pipeline_mode<synchronous>, transform_indices = @transform_9, window_bounds = array<i64: 128, 128>}, {pipeline_mode = #tpu.pipeline_mode<synchronous>, transform_indices = @transform_10, window_bounds = array<i64: 1, 128>}, {pipeline_mode = #tpu.pipeline_mode<synchronous>, transform_indices = @transform_11, window_bounds = array<i64: 128, 8>}, {pipeline_mode = #tpu.pipeline_mode<synchronous>, transform_indices = @transform_12, window_bounds = array<i64: 1, 8>}, {transform_indices = @transform_13, window_bounds = array<i64: 2000, 8>}]} {
    %get3A = arith.constant 0 : index
    %get3A_0 = arith.constant 0 : index
    %get3A_1 = vector.load %arg1[%get3A, %get3A_0] : memref<2000x6xf32, #tpu.memory_space<vmem>>, vector<2000x6xf32>
    %get3A_2 = arith.constant 0 : index
    %get3A_3 = arith.constant 0 : index
    %get3A_4 = vector.load %arg2[%get3A_2, %get3A_3] : memref<2000x1xf32, #tpu.memory_space<vmem>>, vector<2000x1xf32>
    %broadcast_in_dim3A = arith.constant 0.000000e+00 : f32
    %broadcast_in_dim3A_5 = vector.broadcast %broadcast_in_dim3A : f32 to vector<2000x1xf32>
    %broadcast_in_dim3A_6 = arith.constant 0.000000e+00 : f32
    %broadcast_in_dim3A_7 = vector.broadcast %broadcast_in_dim3A_6 : f32 to vector<2000x1xf32>
    %mul3A = arith.constant -0.0106666666 : f32
    %mul3A_8 = vector.broadcast %mul3A : f32 to vector<2000x1xf32>
    %mul3A_9 = arith.mulf %get3A_4, %mul3A_8 : vector<2000x1xf32>
    %broadcast_in_dim3A_10 = arith.constant 0.000000e+00 : f32
    %broadcast_in_dim3A_11 = vector.broadcast %broadcast_in_dim3A_10 : f32 to vector<2000x1xf32>
    %broadcast_in_dim3A_12 = arith.constant 0.000000e+00 : f32
    %broadcast_in_dim3A_13 = vector.broadcast %broadcast_in_dim3A_12 : f32 to vector<2000x1xf32>
    %broadcast_in_dim3A_14 = arith.constant 0.000000e+00 : f32
    %broadcast_in_dim3A_15 = vector.broadcast %broadcast_in_dim3A_14 : f32 to vector<2000x1xf32>
    %concatenate3A = tpu.concatenate %broadcast_in_dim3A_5, %broadcast_in_dim3A_7, %mul3A_9, %broadcast_in_dim3A_11, %broadcast_in_dim3A_13, %broadcast_in_dim3A_15 in 1 : vector<2000x1xf32>, vector<2000x1xf32>, vector<2000x1xf32>, vector<2000x1xf32>, vector<2000x1xf32>, vector<2000x1xf32> -> vector<2000x6xf32>
    %sub3A = arith.subf %get3A_1, %concatenate3A : vector<2000x6xf32>
    %broadcast_in_dim3A_16 = arith.constant 0.000000e+00 : f32
    %broadcast_in_dim3A_17 = vector.broadcast %broadcast_in_dim3A_16 : f32 to vector<2000x1xf32>
    %concatenate3A_18 = tpu.concatenate %sub3A, %get3A_4, %broadcast_in_dim3A_17 in 1 : vector<2000x6xf32>, vector<2000x1xf32>, vector<2000x1xf32> -> vector<2000x8xf32>
    %get3A_19 = arith.constant 0 : index
    %get3A_20 = arith.constant 0 : index
    %get3A_21 = vector.load %arg3[%get3A_19, %get3A_20] : memref<2000x128xf32, #tpu.memory_space<vmem>>, vector<2000x128xf32>
    %get3A_22 = arith.constant 0 : index
    %get3A_23 = arith.constant 0 : index
    %get3A_24 = vector.load %arg4[%get3A_22, %get3A_23] : memref<2000x128xf32, #tpu.memory_space<vmem>>, vector<2000x128xf32>
    %add3A = arith.addf %get3A_21, %get3A_24 : vector<2000x128xf32>
    %get3A_25 = arith.constant 0 : index
    %get3A_26 = arith.constant 0 : index
    %get3A_27 = vector.load %arg5[%get3A_25, %get3A_26] : memref<8x128xf32, #tpu.memory_space<vmem>>, vector<8x128xf32>
    %dot_general3A = arith.constant dense<0.000000e+00> : vector<2000x128xf32>
    %dot_general3A_28 = tpu.matmul %concatenate3A_18, %get3A_27, %dot_general3A {dimension_numbers = #tpu.dot_dimension_numbers<[1], [0], [0], [1], [0, 0, 1, 1], [], []>, transpose_lhs_hint = false} : vector<2000x8xf32>, vector<8x128xf32>, vector<2000x128xf32> -> vector<2000x128xf32>
    %get3A_29 = arith.constant 0 : index
    %get3A_30 = arith.constant 0 : index
    %get3A_31 = vector.load %arg6[%get3A_29, %get3A_30] : memref<128x128xf32, #tpu.memory_space<vmem>>, vector<128x128xf32>
    %dot_general3A_32 = arith.constant dense<0.000000e+00> : vector<2000x128xf32>
    %dot_general3A_33 = tpu.matmul %add3A, %get3A_31, %dot_general3A_32 {dimension_numbers = #tpu.dot_dimension_numbers<[1], [0], [0], [1], [0, 0, 1, 1], [], []>, transpose_lhs_hint = false} : vector<2000x128xf32>, vector<128x128xf32>, vector<2000x128xf32> -> vector<2000x128xf32>
    %add3A_34 = arith.addf %dot_general3A_28, %dot_general3A_33 : vector<2000x128xf32>
    %get3A_35 = arith.constant 0 : index
    %get3A_36 = arith.constant 0 : index
    %get3A_37 = vector.load %arg7[%get3A_35, %get3A_36] : memref<1x128xf32, #tpu.memory_space<vmem>>, vector<1x128xf32>
    %add3A_38 = vector.broadcast %get3A_37 : vector<1x128xf32> to vector<2000x128xf32>
    %add3A_39 = arith.addf %add3A_34, %add3A_38 : vector<2000x128xf32>
    %max3A = arith.constant 0.000000e+00 : f32
    %max3A_40 = vector.broadcast %max3A : f32 to vector<2000x128xf32>
    %max3A_41 = arith.maximumf %add3A_39, %max3A_40 : vector<2000x128xf32>
    %get3A_42 = arith.constant 0 : index
    %get3A_43 = arith.constant 0 : index
    %get3A_44 = vector.load %arg8[%get3A_42, %get3A_43] : memref<128x128xf32, #tpu.memory_space<vmem>>, vector<128x128xf32>
    %dot_general3A_45 = arith.constant dense<0.000000e+00> : vector<2000x128xf32>
    %dot_general3A_46 = tpu.matmul %max3A_41, %get3A_44, %dot_general3A_45 {dimension_numbers = #tpu.dot_dimension_numbers<[1], [0], [0], [1], [0, 0, 1, 1], [], []>, transpose_lhs_hint = false} : vector<2000x128xf32>, vector<128x128xf32>, vector<2000x128xf32> -> vector<2000x128xf32>
    %get3A_47 = arith.constant 0 : index
    %get3A_48 = arith.constant 0 : index
    %get3A_49 = vector.load %arg9[%get3A_47, %get3A_48] : memref<1x128xf32, #tpu.memory_space<vmem>>, vector<1x128xf32>
    %add3A_50 = vector.broadcast %get3A_49 : vector<1x128xf32> to vector<2000x128xf32>
    %add3A_51 = arith.addf %dot_general3A_46, %add3A_50 : vector<2000x128xf32>
    %max3A_52 = arith.constant 0.000000e+00 : f32
    %max3A_53 = vector.broadcast %max3A_52 : f32 to vector<2000x128xf32>
    %max3A_54 = arith.maximumf %add3A_51, %max3A_53 : vector<2000x128xf32>
    %get3A_55 = arith.constant 0 : index
    %get3A_56 = arith.constant 0 : index
    %get3A_57 = vector.load %arg10[%get3A_55, %get3A_56] : memref<128x128xf32, #tpu.memory_space<vmem>>, vector<128x128xf32>
    %dot_general3A_58 = arith.constant dense<0.000000e+00> : vector<2000x128xf32>
    %dot_general3A_59 = tpu.matmul %max3A_54, %get3A_57, %dot_general3A_58 {dimension_numbers = #tpu.dot_dimension_numbers<[1], [0], [0], [1], [0, 0, 1, 1], [], []>, transpose_lhs_hint = false} : vector<2000x128xf32>, vector<128x128xf32>, vector<2000x128xf32> -> vector<2000x128xf32>
    %get3A_60 = arith.constant 0 : index
    %get3A_61 = arith.constant 0 : index
    %get3A_62 = vector.load %arg11[%get3A_60, %get3A_61] : memref<1x128xf32, #tpu.memory_space<vmem>>, vector<1x128xf32>
    %add3A_63 = vector.broadcast %get3A_62 : vector<1x128xf32> to vector<2000x128xf32>
    %add3A_64 = arith.addf %dot_general3A_59, %add3A_63 : vector<2000x128xf32>
    %max3A_65 = arith.constant 0.000000e+00 : f32
    %max3A_66 = vector.broadcast %max3A_65 : f32 to vector<2000x128xf32>
    %max3A_67 = arith.maximumf %add3A_64, %max3A_66 : vector<2000x128xf32>
    %get3A_68 = arith.constant 0 : index
    %get3A_69 = arith.constant 0 : index
    %get3A_70 = vector.load %arg12[%get3A_68, %get3A_69] : memref<128x8xf32, #tpu.memory_space<vmem>>, vector<128x8xf32>
    %dot_general3A_71 = arith.constant dense<0.000000e+00> : vector<2000x8xf32>
    %dot_general3A_72 = tpu.matmul %max3A_67, %get3A_70, %dot_general3A_71 {dimension_numbers = #tpu.dot_dimension_numbers<[1], [0], [0], [1], [0, 0, 1, 1], [], []>, transpose_lhs_hint = false} : vector<2000x128xf32>, vector<128x8xf32>, vector<2000x8xf32> -> vector<2000x8xf32>
    %get3A_73 = arith.constant 0 : index
    %get3A_74 = arith.constant 0 : index
    %get3A_75 = vector.load %arg13[%get3A_73, %get3A_74] : memref<1x8xf32, #tpu.memory_space<vmem>>, vector<1x8xf32>
    %add3A_76 = vector.broadcast %get3A_75 : vector<1x8xf32> to vector<2000x8xf32>
    %add3A_77 = arith.addf %dot_general3A_72, %add3A_76 : vector<2000x8xf32>
    %slice3A = vector.extract_strided_slice %get3A_1 {offsets = [0, 3], sizes = [2000, 3], strides = [1, 1]} : vector<2000x6xf32> to vector<2000x3xf32>
    %slice3A_78 = vector.extract_strided_slice %add3A_77 {offsets = [0, 0], sizes = [2000, 3], strides = [1, 1]} : vector<2000x8xf32> to vector<2000x3xf32>
    %add3A_79 = arith.addf %slice3A, %slice3A_78 : vector<2000x3xf32>
    %slice3A_80 = vector.extract_strided_slice %get3A_1 {offsets = [0, 0], sizes = [2000, 3], strides = [1, 1]} : vector<2000x6xf32> to vector<2000x3xf32>
    %mul3A_81 = arith.constant 0.00999999977 : f32
    %mul3A_82 = vector.broadcast %mul3A_81 : f32 to vector<2000x3xf32>
    %mul3A_83 = arith.mulf %add3A_79, %mul3A_82 : vector<2000x3xf32>
    %add3A_84 = arith.addf %slice3A_80, %mul3A_83 : vector<2000x3xf32>
    %broadcast_in_dim3A_85 = arith.constant 0.000000e+00 : f32
    %broadcast_in_dim3A_86 = vector.broadcast %broadcast_in_dim3A_85 : f32 to vector<2000x2xf32>
    %concatenate3A_87 = tpu.concatenate %add3A_84, %add3A_79, %broadcast_in_dim3A_86 in 1 : vector<2000x3xf32>, vector<2000x3xf32>, vector<2000x2xf32> -> vector<2000x8xf32>
    %swap3A = arith.constant 0 : index
    %swap3A_88 = arith.constant 0 : index
    %swap3A_89 = vector.load %arg14[%swap3A, %swap3A_88] : memref<2000x8xf32, #tpu.memory_space<vmem>>, vector<2000x8xf32>
    tpu.vector_store %arg14[%swap3A, %swap3A_88], %concatenate3A_87 {strides = array<i32>} : memref<2000x8xf32, #tpu.memory_space<vmem>>, vector<2000x8xf32>,
    return
  }
  func.func @transform_0(%arg0: i32) -> (i32, i32) {
    %c0_i32 = arith.constant 0 : i32
    %c0_i32_0 = arith.constant 0 : i32
    return %arg0, %c0_i32 : i32, i32
  }
  func.func @transform_1(%arg0: i32) -> (i32, i32) {
    %c0_i32 = arith.constant 0 : i32
    %c0_i32_0 = arith.constant 0 : i32
    return %arg0, %c0_i32 : i32, i32
  }
  func.func @transform_2(%arg0: i32) -> (i32, i32) {
    %c0_i32 = arith.constant 0 : i32
    %c0_i32_0 = arith.constant 0 : i32
    return %arg0, %c0_i32 : i32, i32
  }
  func.func @transform_3(%arg0: i32) -> (i32, i32) {
    %c0_i32 = arith.constant 0 : i32
    %c0_i32_0 = arith.constant 0 : i32
    return %arg0, %c0_i32 : i32, i32
  }
  func.func @transform_4(%arg0: i32) -> (i32, i32) {
    %c0_i32 = arith.constant 0 : i32
    %c0_i32_0 = arith.constant 0 : i32
    %c0_i32_1 = arith.constant 0 : i32
    return %c0_i32, %c0_i32_0 : i32, i32
  }
  func.func @transform_5(%arg0: i32) -> (i32, i32) {
    %c0_i32 = arith.constant 0 : i32
    %c0_i32_0 = arith.constant 0 : i32
    %c0_i32_1 = arith.constant 0 : i32
    return %c0_i32, %c0_i32_0 : i32, i32
  }
  func.func @transform_6(%arg0: i32) -> (i32, i32) {
    %c0_i32 = arith.constant 0 : i32
    %c0_i32_0 = arith.constant 0 : i32
    %c0_i32_1 = arith.constant 0 : i32
    return %c0_i32, %c0_i32_0 : i32, i32
  }
  func.func @transform_7(%arg0: i32) -> (i32, i32) {
    %c0_i32 = arith.constant 0 : i32
    %c0_i32_0 = arith.constant 0 : i32
    %c0_i32_1 = arith.constant 0 : i32
    return %c0_i32, %c0_i32_0 : i32, i32
  }
  func.func @transform_8(%arg0: i32) -> (i32, i32) {
    %c0_i32 = arith.constant 0 : i32
    %c0_i32_0 = arith.constant 0 : i32
    %c0_i32_1 = arith.constant 0 : i32
    return %c0_i32, %c0_i32_0 : i32, i32
  }
  func.func @transform_9(%arg0: i32) -> (i32, i32) {
    %c0_i32 = arith.constant 0 : i32
    %c0_i32_0 = arith.constant 0 : i32
    %c0_i32_1 = arith.constant 0 : i32
    return %c0_i32, %c0_i32_0 : i32, i32
  }
  func.func @transform_10(%arg0: i32) -> (i32, i32) {
    %c0_i32 = arith.constant 0 : i32
    %c0_i32_0 = arith.constant 0 : i32
    %c0_i32_1 = arith.constant 0 : i32
    return %c0_i32, %c0_i32_0 : i32, i32
  }
  func.func @transform_11(%arg0: i32) -> (i32, i32) {
    %c0_i32 = arith.constant 0 : i32
    %c0_i32_0 = arith.constant 0 : i32
    %c0_i32_1 = arith.constant 0 : i32
    return %c0_i32, %c0_i32_0 : i32, i32
  }
  func.func @transform_12(%arg0: i32) -> (i32, i32) {
    %c0_i32 = arith.constant 0 : i32
    %c0_i32_0 = arith.constant 0 : i32
    %c0_i32_1 = arith.constant 0 : i32
    return %c0_i32, %c0_i32_0 : i32, i32
  }
  func.func @transform_13(%arg0: i32) -> (i32, i32) {
    %c0_i32 = arith.constant 0 : i32
    %c0_i32_0 = arith.constant 0 : i32
    return %arg0, %c0_i32 : i32, i32
  }
}

</mosaic_0001>

<sc_bundles>
// kernel: kernel.10.cloned.1.call-start
scs
__scs_entry_jumppad:
0x0: {  	(pc) =	sbr.rel $0x88, $3  }
0x1: {  	(tag) =	ssettag $0x0;
	lr =	simm.s32 $0x1  }
0x2: {  	[smem:$0x3F8E] =	sst lr;
	_ =	strace $0xD0000000  }
0x3: {  	_ = 	snop  }
0x4: {  	_ = 	snop  }
0x5: {  	_ = 	snop  }
0x6: {  	_ = 	snop  }
0x7: {  	_ = 	snop  }
__scs_overlays_trampoline_lowered:
0x8: {  	[smem:$0x3F9D] =	sst s0  }
0x9: {  	[smem:$0x3F9E] =	sst s1  }
0xa: {  	[smem:$0x3F9F] =	sst s2  }
0xb: {  	[smem:$0x3FA0] =	sst s3  }
0xc: {  	[smem:$0x3FA1] =	sst s4  }
0xd: {  	[smem:$0x3FA2] =	sst s5  }
0xe: {  	[smem:$0x3FA3] =	sst s6  }
0xf: {  	[smem:$0x3FA4] =	sst s7  }
0x10: {  	[smem:$0x3FA5] =	sst s8  }
0x11: {  	[smem:$0x3FA6] =	sst s9;
	s0 =	simm.s32 @!p0 $0x0  }
0x12: {  	s1 =	sld [smem:$0x3F8C];
	s0 =	simm.s32 @p0 $0x1  }
0x13: {  	[smem:$0x3FA7] =	sst s0;
	s0 =	simm.s32 @!p1 $0x0  }
0x14: {  	s2 =	sld [smem:$0x3F8B];
	s0 =	simm.s32 @p1 $0x1  }
0x15: {  	[smem:$0x3FA8] =	sst s0;
	s0 =	simm.s32 @!p2 $0x0  }
0x16: {  	s3 =	sld [smem:$0x3FDB];
	s0 =	simm.s32 @p2 $0x1  }
0x17: {  	s4 =	simm.s32 $0x1BF5;
	[smem:$0x3FAA] =	sst s0  }
0x18: {  	s0 =	sld [smem:$0x3F8D];
	_ =	swait.ge [sflag:s4], $0x0  }
0x19: {  	s7 =	sld [smem:$0x3F8E]  }
0x1a: {  	s8 =	sadd.s32 $0xFFFFE003, lr  }
0x1b: {  	s9 =	sadd.s32 $0xFFFFFEF7, lr;
	s5 =	simm.s32 $0xFFFFFFFF;
	p2 =	slt.u32 s8, $0xFFFFF086  }
0x1c: {  	p1 =	slt.u32 s9, $0xF7A;
	s5 =	simm.s32 @!p2 $0x0  }
0x1d: {  	s5 =	simm.s32 @p1 $0x1;
	p0 =	seq.s32 s7, s2  }
0x1e: {  	s7 =	smul.u32 @!p0 $0xF7A, s2;
	p2 =	seq.s32 @!p0 s5, $0x0  }
0x1f: {  	s9 =	smul.u32 $0xF7A, s1;
	s8 =	simm.s32 @!p0 $0x1BF5;
	p2 =	por !p2, p0  }
0x20: {  	[sflag:s8] =	ssyncset.s32 @!p0 $0xFFFFF086;
	s6 =	sadd.s32 @!p0 s3, s7;
	s7 =	simm.s32 @!p0 $0x108  }
0x21: {  	s3 =	sadd.s32 s3, s9;
	s6 =	sadd.s32 @!p0 $0x88, s6;
	s7 =	simm.s32 @p2 $0x1082  }
0x22: {  	[simem:s7], [sflag:s8] =	dma.local @!p0 [hbm:s6], $0xF7A  }
0x23: {  	s9 =	sor.u32 $0xD0000000, s2;
	s6 =	simm.s32 $0x108;
	_ =	swait.ge @!p0 [sflag:s8], $0x0  }
0x24: {  	s3 =	sadd.s32 $0x88, s3;
	s6 =	simm.s32 @!p1 $0x1082;
	[sflag:s4] =	ssyncset.s32 $0xFFFFF086  }
0x25: {  	[simem:s6], [sflag:s4] =	dma.local [hbm:s3], $0xF7A  }
0x26: {  	[smem:$0x3F8E] =	sst s1;
	(tag) =	ssettag s2;
	_ =	strace s9  }
0x27: {  	s1 =	sld [smem:$0x3F9E]  }
0x28: {  	s2 =	sld [smem:$0x3F9F]  }
0x29: {  	s4 =	sld [smem:$0x3FA1]  }
0x2a: {  	p0 =	seq.s32 s5, $0x0;
	s5 =	sld [smem:$0x3FA2]  }
0x2b: {  	s6 =	sld [smem:$0x3FA3]  }
0x2c: {  	s7 =	sld [smem:$0x3FA4]  }
0x2d: {  	s3 =	simm.s32 $0x108;
	s8 =	sld [smem:$0x3FA5]  }
0x2e: {  	s3 =	simm.s32 @!p0 $0x1082;
	s9 =	sld [smem:$0x3FA6]  }
0x2f: {  	lr =	sadd.s32 s0, s3;
	s0 =	sld [smem:$0x3F9D]  }
0x30: {  	s3 =	sld [smem:$0x3FA0]  }
0x31: {  	[smem:$0x3FA9] =	sst s10  }
0x32: {  	s10 =	sld [smem:$0x3FA7];
	_ =	sdelay $0x3  }
0x33: {  	p0 =	seq.s32 s10, $0x1;
	s10 =	sld [smem:$0x3FA9];
	_ =	sdelay $0x3  }
0x34: {  	[smem:$0x3FA9] =	sst s10  }
0x35: {  	s10 =	sld [smem:$0x3FA8];
	_ =	sdelay $0x3  }
0x36: {  	p1 =	seq.s32 s10, $0x1;
	s10 =	sld [smem:$0x3FA9];
	_ =	sdelay $0x3  }
0x37: {  	[smem:$0x3FA9] =	sst s10  }
0x38: {  	s10 =	sld [smem:$0x3FAA]  }
0x39: {  	_ = 	snop;
	(pc) =	sbr.ind lr, $3  }
0x3a: {  	_ = 	snop  }
0x3b: {  	_ = 	snop  }
0x3c: {  	p2 =	seq.s32 s10, $0x1;
	s10 =	sld [smem:$0x3FA9]  }
0x3d: {  	_ =	shalt  }
0x3e: {  	_ =	shalt  }
0x3f: {  	_ =	shalt  }
0x40: {  	_ =	shalt  }
0x41: {  	_ =	shalt  }
0x42: {  	_ =	shalt  }
0x43: {  	_ =	shalt  }
0x44: {  	_ =	shalt  }
0x45: {  	_ =	shalt  }
0x46: {  	_ =	shalt  }
0x47: {  	_ =	shalt  }
0x48: {  	_ =	shalt  }
0x49: {  	_ =	shalt  }
0x4a: {  	_ =	shalt  }
0x4b: {  	_ =	shalt  }
0x4c: {  	_ =	shalt  }
0x4d: {  	_ =	shalt  }
0x4e: {  	_ =	shalt  }
0x4f: {  	_ =	shalt  }
0x50: {  	_ =	shalt  }
0x51: {  	_ =	shalt  }
0x52: {  	_ =	shalt  }
0x53: {  	_ =	shalt  }
0x54: {  	_ =	shalt  }
0x55: {  	_ =	shalt  }
0x56: {  	_ =	shalt  }
0x57: {  	_ =	shalt  }
0x58: {  	_ =	shalt  }
0x59: {  	_ =	shalt  }
0x5a: {  	_ =	shalt  }
0x5b: {  	_ =	shalt  }
0x5c: {  	_ =	shalt  }
0x5d: {  	_ =	shalt  }
0x5e: {  	_ =	shalt  }
0x5f: {  	_ =	shalt  }
0x60: {  	_ =	shalt  }
0x61: {  	_ =	shalt  }
0x62: {  	_ =	shalt  }
0x63: {  	_ =	shalt  }
0x64: {  	_ =	shalt  }
0x65: {  	_ =	shalt  }
0x66: {  	_ =	shalt  }
0x67: {  	_ =	shalt  }
0x68: {  	_ =	shalt  }
0x69: {  	_ =	shalt  }
0x6a: {  	_ =	shalt  }
0x6b: {  	_ =	shalt  }
0x6c: {  	_ =	shalt  }
0x6d: {  	_ =	shalt  }
0x6e: {  	_ =	shalt  }
0x6f: {  	_ =	shalt  }
0x70: {  	_ =	shalt  }
0x71: {  	_ =	shalt  }
0x72: {  	_ =	shalt  }
0x73: {  	_ =	shalt  }
0x74: {  	_ =	shalt  }
0x75: {  	_ =	shalt  }
0x76: {  	_ =	shalt  }
0x77: {  	_ =	shalt  }
0x78: {  	_ =	shalt  }
0x79: {  	_ =	shalt  }
0x7a: {  	_ =	shalt  }
0x7b: {  	_ =	shalt  }
0x7c: {  	_ =	shalt  }
0x7d: {  	_ =	shalt  }
0x7e: {  	_ =	shalt  }
0x7f: {  	_ =	shalt  }
0x80: {  	_ =	shalt  }
0x81: {  	_ =	shalt  }
0x82: {  	_ =	shalt  }
0x83: {  	_ =	shalt  }
0x84: {  	_ =	shalt  }
0x85: {  	_ =	shalt  }
0x86: {  	_ =	shalt  }
0x87: {  	_ =	shalt  }
.Lfunc_end0:
.L_simem_size_0:
called_computation.1_lowered:
.L_overlay_start_0:
0x88: {  	s2 =	sld [smem:$0x3FD9]  }
0x89: {  	s3 =	sld [smem:$0x3FFE];
	_ =	sdelay $0x1  }
0x8a: {  	s1 =	srdreg.scid  }
0x8b: {  	s0 =	sand.u32 $0x1, s1  }
0x8c: {  	s17 =	sshll.u32 s0, $0xA;
	s2 =	sadd.s32 s3, s2  }
0x8d: {  	s2 =	sadd.s32 s2, s17  }
0x8e: {  	[smem:$0x3FB5] =	sst s2  }
0x8f: {  	_ = 	snop  }
0x90: {  	s2 =	sld [smem:$0x3FD0];
	(tm) =	ssettm $0x1  }
0x91: {  	s18 =	sld [smem:$0x3FFB];
	_ =	sdelay $0x3  }
0x92: {  	_ =	strace s18  }
0x93: {  	s3 =	sld [smem:$0x3FFC];
	_ =	sdelay $0x3  }
0x94: {  	_ =	strace s3  }
0x95: {  	s3 =	sld [smem:$0x3FFD];
	_ =	sdelay $0x3  }
0x96: {  	_ =	strace s3  }
0x97: {  	_ =	strace $0x8FFFFFFF  }
0x98: {  	s19 =	sld [smem:$0x3FDB];
	_ =	sdelay $0x1  }
0x99: {  	s4 =	simm.s32 $_scs_section_size  }
0x9a: {  	s5 =	simm.s32 $_size__tile_overlayer_lowered;
	s6 =	simm.s32 $_tile_overlayer_lowered  }
0x9b: {  	s22 =	simm.s32 $0x1BFF;
	s21 =	sshll.u32 s6, $0x1;
	s3 =	sadd.s32 s4, s19  }
0x9c: {  	s7 =	simm.s32 $0x0;
	s20 =	sshll.u32 s5, $0x1;
	s5 =	sadd.s32 s21, s3  }
0x9d: {  	[timem:s7], [sflag:s22] =	dma.local [hbm:s5], s20  }
0x9e: {  	_ =	swait.ge [sflag:s22], s20  }
0x9f: {  	s4 =	ssub.s32 $0x0, s20;
	[sflag:s22] =	ssyncset.done $0x0  }
0xa0: {  	[sflag:s22] =	ssyncadd.s32 s4;
	_ =	sdelay $0x1  }
0xa1: {  	s23 =	simm.s32 $0x1B8B  }
0xa2: {  	_ =	swait.ge [sflag:s23], $0x1  }
0xa3: {  	[sflag:s23] =	ssyncset.done $0x0  }
0xa4: {  	s25 =	simm.s32 $0x1B8E;
	s24 =	sld [smem:$0x3FFE];
	[sflag:s23] =	ssyncadd.s32 $0xFFFFFFFF  }
0xa5: {  	s26 =	simm.s32 $execute0_lowered;
	[smem:$0x3FD2] =	sst s25  }
0xa6: {  	s5 =	sshll.u32 s26, $0x1;
	_ =	strace $0x80000049;
	[dreg:$0x1] =	wrdreg $0xFFFFFFFF  }
0xa7: {  	s28 =	simm.s32 $_size_execute0_lowered;
	s3 =	sadd.s32 s3, s5;
	[dreg:$0x0] =	wrdreg $0x0  }
0xa8: {  	s5 =	sshll.u32 s28, $0x1;
	[dreg:$0x2] =	wrdreg s3  }
0xa9: {  	[dreg:$0x3] =	wrdreg s5  }
0xaa: {  	[dreg:$0x4] =	wrdreg $0xC0  }
0xab: {  	_ =	task [dreg:s7], $0x5FFFF  }
0xac: {  	[dreg:$0x1] =	wrdreg $0xFFFFFFFF  }
0xad: {  	[dreg:$0x0] =	wrdreg $0x60  }
0xae: {  	[dreg:$0x2] =	wrdreg s24  }
0xaf: {  	[dreg:$0x3] =	wrdreg s2  }
0xb0: {  	[dreg:$0x4] =	wrdreg $0x0  }
0xb1: {  	[dreg:$0x5] =	wrdreg $0x9  }
0xb2: {  	_ =	task.clear_ibuf [dreg:s7], $0x6FFFF;
	_ =	strace $0x90000049  }
0xb3: {  	s29 =	simm.s32 $0x9;
	_ =	strace $0x8000004B  }
0xb4: {  	_ =	swait.ge [sflag:s29], $0x1  }
0xb5: {  	[sflag:s29] =	ssyncadd.s32 $0xFFFFFFFF  }
0xb6: {  	_ =	strace $0x9000004B  }
0xb7: {  	_ =	sfence  }
0xb8: {  	s30 =	sld [smem:$0x0];
	_ =	sdelay $0x2  }
0xb9: {  	s31 =	sshll.u32 s1, $0xD;
	s1 =	sshrl.u32 s1, $0x2  }
0xba: {  	s3 =	sand.u32 $0x4000, s31;
	s1 =	sadd.s32 s1, s30  }
0xbb: {  	s0 =	sor.u32 s3, s0;
	s1 =	sshll.u32 s1, $0x11  }
0xbc: {  	s0 =	sor.u32 s1, s0  }
0xbd: {  	s0 =	sadd.s32 $0x8F2B, s0  }
0xbe: {  	[sflag:s0] =	ssyncadd.remote.s32 $0x1  }
0xbf: {  	_ =	sfence.sel $0xFFFF  }
0xc0: {  	[dreg:$0x0] =	wrdreg $0xFFFFFFFF;
	(pc) =	sbr.abs _section_cstart, $3  }
0xc1: {  	[dreg:$0x1] =	wrdreg $0xFFFFFFFF  }
0xc2: {  	_ =	task.clear_ibuf [dreg:s7], $0x2FFFF;
	_ =	strace $0x9FFFFFFF  }
0xc3: {  	(tm) =	ssettm $0x7FFFFFFF  }
tec
execute0_lowered:
.L_overlay_start_1:
0x0: {  	(tag) =	ssettag $0x1  }
0x1: {  	s5 =	rddreg [dreg:$0x0]  }
0x2: {  	s2 =	rddreg [dreg:$0x1]  }
0x3: {  	s3 =	rddreg [dreg:$0x2];
	s4 =	srdreg.scid  }
0x4: {  	s0 =	rddreg [dreg:$0x3];
	s1 =	stileid.u32  }
0x5: {  	s16 =	simm.s32 $0x16400;
	s17 =	simm.s32 $0x1A400;
	s18 =	simm.s32 $0x1  }
0x6: {  	s19 =	simm.s32 $0x80;
	s20 =	simm.s32 $0x3;
	s21 =	simm.s32 $0x2  }
0x7: {  	s22 =	simm.s32 $0x4;
	s23 =	simm.s32 $0x16300;
	s9 =	smul.u32 $0x13C00, s1  }
0x8: {  	s24 =	simm.s32 $0x16380;
	s6 =	sand.u32 $0x1, s4;
	s25 =	smul.u32 $0x4F000, s1  }
0x9: {  	s4 =	simm.s32 $0x0;
	s7 =	sshll.u32 s1, $0x1;
	s28 =	smul.u32 $0xA0, s1  }
0xa: {  	s11 =	sadd.s32 $0x1B5800, s5;
	s29 =	sshll.u32 s1, $0x6;
	s8 =	smul.u32 $0x13C000, s6  }
0xb: {  	[smem:$0x7FF] =	sst s4;
	s7 =	sor.u32 s6, s7;
	s14 =	smul.u32 $0x50, s6  }
0xc: {  	s26 =	ssub.s32 $0x2, s6;
	_ =	strace $0x8000004A;
	s10 =	smul.u32 $0x500, s7  }
0xd: {  	s7 =	smul.u32 $0x28000, s7;
	s13 =	sshrl.u32 s26, $0x1;
	s8 =	sadd.s32 s9, s8  }
0xe: {  	s9 =	sshrl.u32 s25, $0x2;
	s13 =	ssub.s32 s26, s13;
	s30 =	sadd.s32 s14, s28  }
0xf: {  	s25 =	simm.s32 $0x0;
	s10 =	sadd.s32 s10, s5;
	s8 =	sshrl.u32 s8, $0x3  }
0x10: {  	s15 =	sadd.s32 s9, s3;
	s6 =	sadd.s32 s11, s7;
	s14 =	sshll.u32 s30, $0xB  }
0x11: {  	s12 =	sadd.s32 s8, s5;
	s5 =	sor.u32 $0x1C05, s29;
	s7 =	sadd.s32 $0x1AB800, s10  }
0x12: {  	s8 =	sadd.s32 $0x800, s6;
	s10 =	smax.u32 s13, $0x1;
	s31 =	sadd.s32 s14, s11  }
0x13: {  	s13 =	sshrl.u32 s15, $0x3;
	s14 =	simm.s32 $0x5;
	s15 =	simm.s32 $0x13C00  }
0x14: {  	s9 =	sadd.s32 $0x52800, s12;
	s11 =	sadd.s32 $0x1800, s31;
	s12 =	sadd.s32 $0x1000, s31  }
.LBB2_1:
0x15: {  	[spmem:s13], [sflag:s5] =	dma.local [hbm:s2], $0x2780  }
0x16: {  	_ =	swait.ge [sflag:s14], $0x2780  }
0x17: {  	[sflag:s14] =	ssyncset.done $0x0  }
0x18: {  	[sflag:s14] =	ssyncadd.s32 $0xFFFFD880  }
0x19: {  	[tilespmem:s15], [sflag:$0x5] =	stream.linear.gather [hbm4b:s7+s4], $0x2800, $0x38;
	[tilespmem:$0x1E400] =	vst v63  }
0x1a: {  	_ =	swait.ge [sflag:s14], $0x2800  }
0x1b: {  	[sflag:s14] =	ssyncset.done $0x0  }
0x1c: {  	[sflag:s14] =	ssyncadd.s32 $0xFFFFD800  }
0x1d: {  	[bflag:$0x0] =	sbarrier.arrive $0xFFFF  }
0x1e: {  	[tilespmem:s16], [sflag:$0x1] =	stream.linear.gather [hbm4b:s6+s4], $0x4000, $0x38;
	[tilespmem:$0x1E400] =	vst v63  }
0x1f: {  	_ = 	snop  }
0x20: {  	[tilespmem:s17], [sflag:$0x2] =	stream.linear.gather [hbm4b:s8+s4], $0x4000, $0x38;
	[tilespmem:$0x1E400] =	vst v63  }
0x21: {  	_ =	swait.ge [sflag:s18], $0x4000  }
0x22: {  	[sflag:s18] =	ssyncset.done $0x0  }
0x23: {  	s26 =	simm.s32 $0x13C00;
	[sflag:s18] =	ssyncadd.s32 $0xFFFFC000  }
0x24: {  	[spmem:s3] =	stream.indirect.scatter.add.f32 [tilespmem:s16], [sflag:$0x3], $0x80, s26, s19, $0xb8;
	[tilespmem:$0x1E400] =	vst v63  }
0x25: {  	_ =	swait.ge [sflag:s20], $0x4000  }
0x26: {  	[sflag:s20] =	ssyncset.done $0x0  }
0x27: {  	s30 =	sadd.s32 $0x0, s12;
	[sflag:s20] =	ssyncadd.s32 $0xFFFFC000  }
0x28: {  	[tilespmem:s16], [sflag:$0x1] =	stream.linear.gather [hbm4b:s30+s4], $0x4000, $0x38;
	[tilespmem:$0x1E400] =	vst v63  }
0x29: {  	_ =	swait.ge [sflag:s21], $0x4000  }
0x2a: {  	[sflag:s21] =	ssyncset.done $0x0  }
0x2b: {  	s31 =	simm.s32 $0x13C80;
	[sflag:s21] =	ssyncadd.s32 $0xFFFFC000  }
0x2c: {  	[spmem:s3] =	stream.indirect.scatter.add.f32 [tilespmem:s17], [sflag:$0x4], $0x80, s31, s19, $0xb8;
	[tilespmem:$0x1E400] =	vst v63  }
0x2d: {  	_ =	swait.ge [sflag:s22], $0x4000  }
0x2e: {  	s29 =	sadd.s32 $0x0, s11;
	[sflag:s22] =	ssyncset.done $0x0  }
0x2f: {  	s28 =	simm.s32 $0x13D80;
	s26 =	simm.s32 $0x1000;
	[sflag:s22] =	ssyncadd.s32 $0xFFFFC000  }
.LBB2_2:
0x30: {  	[tilespmem:s17], [sflag:$0x2] =	stream.linear.gather [hbm4b:s29+s4], $0x4000, $0x38;
	[tilespmem:$0x1E400] =	vst v63  }
0x31: {  	s29 =	smov.u32 s26  }
0x32: {  	p0 =	sne.s32 s26, $0x26000;
	s26 =	sadd.s32 $0x1000, s26;
	_ =	swait.ge [sflag:s18], $0x4000  }
0x33: {  	[sflag:s18] =	ssyncset.done $0x0  }
0x34: {  	s30 =	sadd.s32 $0xFFFFFF80, s28;
	[sflag:s18] =	ssyncadd.s32 $0xFFFFC000  }
0x35: {  	[spmem:s3] =	stream.indirect.scatter.add.f32 [tilespmem:s16], [sflag:$0x3], $0x80, s30, s19, $0xb8;
	[tilespmem:$0x1E400] =	vst v63  }
0x36: {  	_ =	swait.ge [sflag:s20], $0x4000  }
0x37: {  	[sflag:s20] =	ssyncset.done $0x0  }
0x38: {  	s30 =	sadd.s32 s29, s12;
	[sflag:s20] =	ssyncadd.s32 $0xFFFFC000  }
0x39: {  	[tilespmem:s16], [sflag:$0x1] =	stream.linear.gather [hbm4b:s30+s4], $0x4000, $0x38;
	[tilespmem:$0x1E400] =	vst v63  }
0x3a: {  	_ =	swait.ge [sflag:s21], $0x4000  }
0x3b: {  	[sflag:s21] =	ssyncset.done $0x0  }
.Ltmp0:
0x3c: {  	[sflag:s21] =	ssyncadd.s32 $0xFFFFC000;
	(pc) =	sbr.rel @p0 .LBB2_2-.Ltmp0, $4  }
0x3d: {  	[spmem:s3] =	stream.indirect.scatter.add.f32 [tilespmem:s17], [sflag:$0x4], $0x80, s28, s19, $0xb8;
	[tilespmem:$0x1E400] =	vst v63  }
0x3e: {  	_ =	swait.ge [sflag:s22], $0x4000  }
0x3f: {  	[sflag:s22] =	ssyncset.done $0x0  }
0x40: {  	s29 =	sadd.s32 s29, s11;
	s28 =	sadd.s32 $0x100, s28;
	[sflag:s22] =	ssyncadd.s32 $0xFFFFC000  }
0x41: {  	[tilespmem:s17], [sflag:$0x2] =	stream.linear.gather [hbm4b:s29+s4], $0x4000, $0x38;
	[tilespmem:$0x1E400] =	vst v63  }
0x42: {  	_ =	swait.ge [sflag:s18], $0x4000  }
0x43: {  	[sflag:s18] =	ssyncset.done $0x0  }
0x44: {  	[sflag:s18] =	ssyncadd.s32 $0xFFFFC000  }
0x45: {  	[spmem:s3] =	stream.indirect.scatter.add.f32 [tilespmem:s16], [sflag:$0x3], $0x80, s23, s19, $0xb8;
	[tilespmem:$0x1E400] =	vst v63  }
0x46: {  	_ =	swait.ge [sflag:s21], $0x4000  }
0x47: {  	[sflag:s21] =	ssyncset.done $0x0  }
0x48: {  	[sflag:s21] =	ssyncadd.s32 $0xFFFFC000  }
0x49: {  	[spmem:s3] =	stream.indirect.scatter.add.f32 [tilespmem:s17], [sflag:$0x4], $0x80, s24, s19, $0xb8;
	[tilespmem:$0x1E400] =	vst v63  }
0x4a: {  	_ =	swait.ge [sflag:s20], $0x4000  }
0x4b: {  	[sflag:s20] =	ssyncset.done $0x0  }
0x4c: {  	[sflag:s20] =	ssyncadd.s32 $0xFFFFC000  }
0x4d: {  	_ =	swait.ge [sflag:s22], $0x4000  }
0x4e: {  	s25 =	sadd.s32 $0x1, s25;
	[sflag:s22] =	ssyncset.done $0x0  }
0x4f: {  	p0 =	sne.s32 s25, s10;
	[sflag:s22] =	ssyncadd.s32 $0xFFFFC000  }
.Ltmp1:
0x50: {  	[bflag:$0x0] =	sbarrier.arrive $0xFFFF;
	(pc) =	sbr.rel @p0 .LBB2_1-.Ltmp1, $4  }
0x51: {  	[hbm:s9], [sflag:s5] =	dma.local [spmem:s13], $0x2780  }
0x52: {  	_ =	swait.ge [sflag:s14], $0x2780  }
0x53: {  	[sflag:s14] =	ssyncset.done $0x0  }
0x54: {  	[sflag:s14] =	ssyncadd.s32 $0xFFFFD880  }
0x55: {  	_ =	sfence.sel $0x180000  }
0x56: {  	[bflag:$0x0] =	sbarrier.arrive $0xFFFF  }
0x57: {  	p0 =	sne.s32 s1, $0x0;
	_ =	strace $0x9000004A  }
0x58: {  	s0 =	sadd.s32 @!p0 $0x100000, s0;
	[bflag:$0x2] =	sbarrier.arrive $0xFFFF  }
0x59: {  	[sflag:s0] =	ssyncadd.tile.s32 @!p0 $0x1;
	_ =	shalt  }
.Lfunc_end2:
_tile_overlayer_lowered:
.L_overlay_start_2:
0x5a: {  	(tag) =	ssettag $0x2  }
0x5b: {  	s0 =	rddreg [dreg:$0x0];
	s2 =	stileid.u32  }
0x5c: {  	s1 =	rddreg [dreg:$0x1];
	p0 =	sne.s32 s2, $0x0  }
0x5d: {  	s3 =	rddreg [dreg:$0x2];
	[bflag:$0x3] =	sbarrier.arrive $0xFFFF;
	s2 =	simm.s32 @!p0 $0x1C05  }
0x5e: {  	[timem:s3], [sflag:s2] =	dma.local @!p0 [hbm:s0], s1  }
0x5f: {  	s0 =	simm.s32 @!p0 $0x5  }
0x60: {  	_ =	swait.ge @!p0 [sflag:s0], s1  }
0x61: {  	s1 =	ssub.s32 @!p0 $0x0, s1;
	[sflag:s0] =	ssyncset.done @!p0 $0x0  }
0x62: {  	[sflag:s0] =	ssyncadd.s32 @!p0 s1  }
0x63: {  	[bflag:$0x3] =	sbarrier.arrive $0xFFFF  }
0x64: {  	_ =	shalt  }

// kernel: kernel.7.cloned.1.call-start
scs
__scs_entry_jumppad:
0x0: {  	(pc) =	sbr.rel $0x88, $3  }
0x1: {  	(tag) =	ssettag $0x0;
	lr =	simm.s32 $0x1  }
0x2: {  	[smem:$0x3F8E] =	sst lr;
	_ =	strace $0xD0000000  }
0x3: {  	_ = 	snop  }
0x4: {  	_ = 	snop  }
0x5: {  	_ = 	snop  }
0x6: {  	_ = 	snop  }
0x7: {  	_ = 	snop  }
__scs_overlays_trampoline_lowered:
0x8: {  	[smem:$0x3F9D] =	sst s0  }
0x9: {  	[smem:$0x3F9E] =	sst s1  }
0xa: {  	[smem:$0x3F9F] =	sst s2  }
0xb: {  	[smem:$0x3FA0] =	sst s3  }
0xc: {  	[smem:$0x3FA1] =	sst s4  }
0xd: {  	[smem:$0x3FA2] =	sst s5  }
0xe: {  	[smem:$0x3FA3] =	sst s6  }
0xf: {  	[smem:$0x3FA4] =	sst s7  }
0x10: {  	[smem:$0x3FA5] =	sst s8  }
0x11: {  	[smem:$0x3FA6] =	sst s9;
	s0 =	simm.s32 @!p0 $0x0  }
0x12: {  	s1 =	sld [smem:$0x3F8C];
	s0 =	simm.s32 @p0 $0x1  }
0x13: {  	[smem:$0x3FA7] =	sst s0;
	s0 =	simm.s32 @!p1 $0x0  }
0x14: {  	s2 =	sld [smem:$0x3F8B];
	s0 =	simm.s32 @p1 $0x1  }
0x15: {  	[smem:$0x3FA8] =	sst s0;
	s0 =	simm.s32 @!p2 $0x0  }
0x16: {  	s3 =	sld [smem:$0x3FDB];
	s0 =	simm.s32 @p2 $0x1  }
0x17: {  	s4 =	simm.s32 $0x1BF5;
	[smem:$0x3FAA] =	sst s0  }
0x18: {  	s0 =	sld [smem:$0x3F8D];
	_ =	swait.ge [sflag:s4], $0x0  }
0x19: {  	s7 =	sld [smem:$0x3F8E]  }
0x1a: {  	s8 =	sadd.s32 $0xFFFFE003, lr  }
0x1b: {  	s9 =	sadd.s32 $0xFFFFFEF7, lr;
	s5 =	simm.s32 $0xFFFFFFFF;
	p2 =	slt.u32 s8, $0xFFFFF086  }
0x1c: {  	p1 =	slt.u32 s9, $0xF7A;
	s5 =	simm.s32 @!p2 $0x0  }
0x1d: {  	s5 =	simm.s32 @p1 $0x1;
	p0 =	seq.s32 s7, s2  }
0x1e: {  	s7 =	smul.u32 @!p0 $0xF7A, s2;
	p2 =	seq.s32 @!p0 s5, $0x0  }
0x1f: {  	s9 =	smul.u32 $0xF7A, s1;
	s8 =	simm.s32 @!p0 $0x1BF5;
	p2 =	por !p2, p0  }
0x20: {  	[sflag:s8] =	ssyncset.s32 @!p0 $0xFFFFF086;
	s6 =	sadd.s32 @!p0 s3, s7;
	s7 =	simm.s32 @!p0 $0x108  }
0x21: {  	s3 =	sadd.s32 s3, s9;
	s6 =	sadd.s32 @!p0 $0x88, s6;
	s7 =	simm.s32 @p2 $0x1082  }
0x22: {  	[simem:s7], [sflag:s8] =	dma.local @!p0 [hbm:s6], $0xF7A  }
0x23: {  	s9 =	sor.u32 $0xD0000000, s2;
	s6 =	simm.s32 $0x108;
	_ =	swait.ge @!p0 [sflag:s8], $0x0  }
0x24: {  	s3 =	sadd.s32 $0x88, s3;
	s6 =	simm.s32 @!p1 $0x1082;
	[sflag:s4] =	ssyncset.s32 $0xFFFFF086  }
0x25: {  	[simem:s6], [sflag:s4] =	dma.local [hbm:s3], $0xF7A  }
0x26: {  	[smem:$0x3F8E] =	sst s1;
	(tag) =	ssettag s2;
	_ =	strace s9  }
0x27: {  	s1 =	sld [smem:$0x3F9E]  }
0x28: {  	s2 =	sld [smem:$0x3F9F]  }
0x29: {  	s4 =	sld [smem:$0x3FA1]  }
0x2a: {  	p0 =	seq.s32 s5, $0x0;
	s5 =	sld [smem:$0x3FA2]  }
0x2b: {  	s6 =	sld [smem:$0x3FA3]  }
0x2c: {  	s7 =	sld [smem:$0x3FA4]  }
0x2d: {  	s3 =	simm.s32 $0x108;
	s8 =	sld [smem:$0x3FA5]  }
0x2e: {  	s3 =	simm.s32 @!p0 $0x1082;
	s9 =	sld [smem:$0x3FA6]  }
0x2f: {  	lr =	sadd.s32 s0, s3;
	s0 =	sld [smem:$0x3F9D]  }
0x30: {  	s3 =	sld [smem:$0x3FA0]  }
0x31: {  	[smem:$0x3FA9] =	sst s10  }
0x32: {  	s10 =	sld [smem:$0x3FA7];
	_ =	sdelay $0x3  }
0x33: {  	p0 =	seq.s32 s10, $0x1;
	s10 =	sld [smem:$0x3FA9];
	_ =	sdelay $0x3  }
0x34: {  	[smem:$0x3FA9] =	sst s10  }
0x35: {  	s10 =	sld [smem:$0x3FA8];
	_ =	sdelay $0x3  }
0x36: {  	p1 =	seq.s32 s10, $0x1;
	s10 =	sld [smem:$0x3FA9];
	_ =	sdelay $0x3  }
0x37: {  	[smem:$0x3FA9] =	sst s10  }
0x38: {  	s10 =	sld [smem:$0x3FAA]  }
0x39: {  	_ = 	snop;
	(pc) =	sbr.ind lr, $3  }
0x3a: {  	_ = 	snop  }
0x3b: {  	_ = 	snop  }
0x3c: {  	p2 =	seq.s32 s10, $0x1;
	s10 =	sld [smem:$0x3FA9]  }
0x3d: {  	_ =	shalt  }
0x3e: {  	_ =	shalt  }
0x3f: {  	_ =	shalt  }
0x40: {  	_ =	shalt  }
0x41: {  	_ =	shalt  }
0x42: {  	_ =	shalt  }
0x43: {  	_ =	shalt  }
0x44: {  	_ =	shalt  }
0x45: {  	_ =	shalt  }
0x46: {  	_ =	shalt  }
0x47: {  	_ =	shalt  }
0x48: {  	_ =	shalt  }
0x49: {  	_ =	shalt  }
0x4a: {  	_ =	shalt  }
0x4b: {  	_ =	shalt  }
0x4c: {  	_ =	shalt  }
0x4d: {  	_ =	shalt  }
0x4e: {  	_ =	shalt  }
0x4f: {  	_ =	shalt  }
0x50: {  	_ =	shalt  }
0x51: {  	_ =	shalt  }
0x52: {  	_ =	shalt  }
0x53: {  	_ =	shalt  }
0x54: {  	_ =	shalt  }
0x55: {  	_ =	shalt  }
0x56: {  	_ =	shalt  }
0x57: {  	_ =	shalt  }
0x58: {  	_ =	shalt  }
0x59: {  	_ =	shalt  }
0x5a: {  	_ =	shalt  }
0x5b: {  	_ =	shalt  }
0x5c: {  	_ =	shalt  }
0x5d: {  	_ =	shalt  }
0x5e: {  	_ =	shalt  }
0x5f: {  	_ =	shalt  }
0x60: {  	_ =	shalt  }
0x61: {  	_ =	shalt  }
0x62: {  	_ =	shalt  }
0x63: {  	_ =	shalt  }
0x64: {  	_ =	shalt  }
0x65: {  	_ =	shalt  }
0x66: {  	_ =	shalt  }
0x67: {  	_ =	shalt  }
0x68: {  	_ =	shalt  }
0x69: {  	_ =	shalt  }
0x6a: {  	_ =	shalt  }
0x6b: {  	_ =	shalt  }
0x6c: {  	_ =	shalt  }
0x6d: {  	_ =	shalt  }
0x6e: {  	_ =	shalt  }
0x6f: {  	_ =	shalt  }
0x70: {  	_ =	shalt  }
0x71: {  	_ =	shalt  }
0x72: {  	_ =	shalt  }
0x73: {  	_ =	shalt  }
0x74: {  	_ =	shalt  }
0x75: {  	_ =	shalt  }
0x76: {  	_ =	shalt  }
0x77: {  	_ =	shalt  }
0x78: {  	_ =	shalt  }
0x79: {  	_ =	shalt  }
0x7a: {  	_ =	shalt  }
0x7b: {  	_ =	shalt  }
0x7c: {  	_ =	shalt  }
0x7d: {  	_ =	shalt  }
0x7e: {  	_ =	shalt  }
0x7f: {  	_ =	shalt  }
0x80: {  	_ =	shalt  }
0x81: {  	_ =	shalt  }
0x82: {  	_ =	shalt  }
0x83: {  	_ =	shalt  }
0x84: {  	_ =	shalt  }
0x85: {  	_ =	shalt  }
0x86: {  	_ =	shalt  }
0x87: {  	_ =	shalt  }
.Lfunc_end0:
.L_simem_size_0:
called_computation_lowered:
.L_overlay_start_0:
0x88: {  	s2 =	sld [smem:$0x3FD9]  }
0x89: {  	s3 =	sld [smem:$0x3FFE];
	_ =	sdelay $0x1  }
0x8a: {  	s1 =	srdreg.scid  }
0x8b: {  	s0 =	sand.u32 $0x1, s1  }
0x8c: {  	s16 =	sshll.u32 s0, $0xA;
	s2 =	sadd.s32 s3, s2  }
0x8d: {  	s2 =	sadd.s32 s2, s16  }
0x8e: {  	[smem:$0x3FB5] =	sst s2  }
0x8f: {  	_ = 	snop  }
0x90: {  	(tm) =	ssettm $0x1  }
0x91: {  	s17 =	sld [smem:$0x3FFB];
	_ =	sdelay $0x3  }
0x92: {  	_ =	strace s17  }
0x93: {  	s2 =	sld [smem:$0x3FFC];
	_ =	sdelay $0x3  }
0x94: {  	_ =	strace s2  }
0x95: {  	s2 =	sld [smem:$0x3FFD];
	_ =	sdelay $0x3  }
0x96: {  	_ =	strace s2  }
0x97: {  	_ =	strace $0x8FFFFFFF  }
0x98: {  	s18 =	sld [smem:$0x3FDB];
	_ =	sdelay $0x1  }
0x99: {  	s19 =	simm.s32 $_scs_section_size  }
0x9a: {  	s4 =	simm.s32 $_size__tile_overlayer_lowered;
	s5 =	simm.s32 $_tile_overlayer_lowered  }
0x9b: {  	s22 =	simm.s32 $0x1BFF;
	s21 =	sshll.u32 s5, $0x1;
	s2 =	sadd.s32 s19, s18  }
0x9c: {  	s6 =	simm.s32 $0x0;
	s20 =	sshll.u32 s4, $0x1;
	s4 =	sadd.s32 s21, s2  }
0x9d: {  	[timem:s6], [sflag:s22] =	dma.local [hbm:s4], s20  }
0x9e: {  	_ =	swait.ge [sflag:s22], s20  }
0x9f: {  	s3 =	ssub.s32 $0x0, s20;
	[sflag:s22] =	ssyncset.done $0x0  }
0xa0: {  	[sflag:s22] =	ssyncadd.s32 s3;
	_ =	sdelay $0x1  }
0xa1: {  	s23 =	simm.s32 $0x1B8B  }
0xa2: {  	_ =	swait.ge [sflag:s23], $0x1  }
0xa3: {  	[sflag:s23] =	ssyncset.done $0x0  }
0xa4: {  	s25 =	simm.s32 $0x1B8E;
	s24 =	sld [smem:$0x3FFE];
	[sflag:s23] =	ssyncadd.s32 $0xFFFFFFFF  }
0xa5: {  	s26 =	simm.s32 $execute0_lowered;
	[smem:$0x3FD2] =	sst s25  }
0xa6: {  	s4 =	sshll.u32 s26, $0x1;
	_ =	strace $0x80000046;
	[dreg:$0x1] =	wrdreg $0xFFFFFFFF  }
0xa7: {  	s28 =	simm.s32 $_size_execute0_lowered;
	s2 =	sadd.s32 s2, s4;
	[dreg:$0x0] =	wrdreg $0x0  }
0xa8: {  	s4 =	sshll.u32 s28, $0x1;
	[dreg:$0x2] =	wrdreg s2  }
0xa9: {  	[dreg:$0x3] =	wrdreg s4  }
0xaa: {  	[dreg:$0x4] =	wrdreg $0xC0  }
0xab: {  	_ =	task [dreg:s6], $0x5FFFF  }
0xac: {  	[dreg:$0x1] =	wrdreg $0xFFFFFFFF  }
0xad: {  	[dreg:$0x0] =	wrdreg $0x60  }
0xae: {  	[dreg:$0x2] =	wrdreg s24  }
0xaf: {  	[dreg:$0x3] =	wrdreg $0x9  }
0xb0: {  	_ =	task.clear_ibuf [dreg:s6], $0x4FFFF;
	_ =	strace $0x90000046  }
0xb1: {  	s29 =	simm.s32 $0x9;
	_ =	strace $0x80000048  }
0xb2: {  	_ =	swait.ge [sflag:s29], $0x1  }
0xb3: {  	[sflag:s29] =	ssyncadd.s32 $0xFFFFFFFF  }
0xb4: {  	_ =	strace $0x90000048  }
0xb5: {  	_ =	sfence  }
0xb6: {  	s30 =	sld [smem:$0x0];
	_ =	sdelay $0x2  }
0xb7: {  	s31 =	sshll.u32 s1, $0xD;
	s1 =	sshrl.u32 s1, $0x2  }
0xb8: {  	s3 =	sand.u32 $0x4000, s31;
	s1 =	sadd.s32 s1, s30  }
0xb9: {  	s0 =	sor.u32 s3, s0;
	s1 =	sshll.u32 s1, $0x11  }
0xba: {  	s0 =	sor.u32 s1, s0  }
0xbb: {  	s0 =	sadd.s32 $0x8F2B, s0  }
0xbc: {  	[sflag:s0] =	ssyncadd.remote.s32 $0x1  }
0xbd: {  	_ =	sfence.sel $0xFFFF  }
0xbe: {  	[dreg:$0x0] =	wrdreg $0xFFFFFFFF;
	(pc) =	sbr.abs _section_cstart, $3  }
0xbf: {  	[dreg:$0x1] =	wrdreg $0xFFFFFFFF  }
0xc0: {  	_ =	task.clear_ibuf [dreg:s6], $0x2FFFF;
	_ =	strace $0x9FFFFFFF  }
0xc1: {  	(tm) =	ssettm $0x7FFFFFFF  }
tec
execute0_lowered:
.L_overlay_start_1:
0x0: {  	(tag) =	ssettag $0x1  }
0x1: {  	s0 =	rddreg [dreg:$0x0]  }
0x2: {  	s2 =	stileid.u32;
	s1 =	srdreg.scid;
	s8 =	simm.s32 $0x11  }
0x3: {  	s10 =	simm.s32 $0x80;
	s11 =	simm.s32 $0x7000;
	s12 =	simm.s32 $0x9000  }
0x4: {  	s13 =	simm.s32 $0x7800;
	s15 =	simm.s32 $0x9800;
	s16 =	simm.s32 $0x1  }
0x5: {  	s17 =	simm.s32 $0x2;
	s18 =	simm.s32 $0x3;
	s24 =	simm.s32 $0xA000  }
0x6: {  	s19 =	simm.s32 $0x4;
	s25 =	simm.s32 $0x8000;
	s26 =	simm.s32 $0xA800  }
0x7: {  	s28 =	simm.s32 $0x8800;
	s29 =	simm.s32 $0xD;
	s3 =	smul.u32 $0x70, s2  }
0x8: {  	s30 =	simm.s32 $0xE;
	s4 =	smul.u32 $0x30, s2;
	s2 =	simm.s32 $0x0  }
0x9: {  	s31 =	simm.s32 $0xF;
	s1 =	sand.u32 $0x1, s1;
	[smem:$0x7FF] =	sst s2  }
0xa: {  	p0 =	seq.s32 s1, $0x0;
	_ =	strace $0x80000047;
	[dreg:$0x5] =	wrdreg s24  }
0xb: {  	s1 =	ssub.s32 $0x2, s1;
	s5 =	sadd.s32 $0x300, s3;
	[dreg:$0x6] =	wrdreg s25  }
0xc: {  	s3 =	sadd.s32 $0x52800, s0;
	s20 =	sshrl.u32 s1, $0x1;
	[dreg:$0x7] =	wrdreg s26  }
0xd: {  	[dreg:$0x8] =	wrdreg s28;
	s5 =	smov.u32 @p0 s4;
	s1 =	ssub.s32 s1, s20  }
0xe: {  	s20 =	simm.s32 $0x5;
	s4 =	sshll.u32 s5, $0x4;
	s5 =	sshll.u32 s5, $0x8  }
0xf: {  	s1 =	smax.u32 s1, $0x1;
	s6 =	sadd.s32 s4, s0;
	s4 =	simm.s32 $0x30  }
0x10: {  	s0 =	sadd.s32 s5, s0;
	[dreg:$0xb] =	wrdreg s1;
	s22 =	sadd.s32 $0x61800, s6  }
0x11: {  	s1 =	simm.s32 $0x10;
	s21 =	sadd.s32 $0x10B800, s0;
	[dreg:$0x9] =	wrdreg s22  }
0x12: {  	s4 =	simm.s32 @!p0 $0x70;
	s23 =	sadd.s32 $0x57800, s6;
	[dreg:$0x3] =	wrdreg s21  }
0x13: {  	s0 =	sadd.s32 $0x6B800, s0;
	s7 =	sshll.u32 s4, $0x8;
	[dreg:$0xa] =	wrdreg s23  }
0x14: {  	[dreg:$0x4] =	wrdreg s0;
	s21 =	simm.s32 $0x6;
	s22 =	simm.s32 $0x7  }
0x15: {  	s23 =	simm.s32 $0x8;
	s0 =	simm.s32 $0x0;
	[dreg:$0x2] =	wrdreg s7  }
.LBB2_1:
0x16: {  	s5 =	rddreg [dreg:$0x9]  }
0x17: {  	[tilespmem:s2], [sflag:$0x11] =	stream.linear.gather [hbm4b:s5+s2], $0x3800, $0x38;
	[tilespmem:$0xB000] =	vst v63  }
0x18: {  	_ =	swait.ge [sflag:s8], $0x3800  }
0x19: {  	[sflag:s8] =	ssyncset.done $0x0  }
0x1a: {  	s6 =	simm.s32 $0x3800;
	s26 =	rddreg [dreg:$0xa];
	[sflag:s8] =	ssyncadd.s32 $0xFFFFC800  }
0x1b: {  	[tilespmem:s6], [sflag:$0x11] =	stream.linear.gather [hbm4b:s26+s2], $0x3800, $0x38;
	[tilespmem:$0xB000] =	vst v63  }
0x1c: {  	_ =	swait.ge [sflag:s8], $0x3800  }
0x1d: {  	[sflag:s8] =	ssyncset.done $0x0  }
0x1e: {  	[sflag:s8] =	ssyncadd.s32 $0xFFFFC800  }
0x1f: {  	[tilespmem:s11], [sflag:$0x1] =	stream.indirect.gather [hbm4b:s3+s10], $0x10, s2, s10, $0xb8;
	[tilespmem:$0xB000] =	vst v63  }
0x20: {  	_ = 	snop  }
0x21: {  	[tilespmem:s12], [sflag:$0x2] =	stream.indirect.gather [hbm4b:s3+s10], $0x10, s6, s10, $0xb8;
	[tilespmem:$0xB000] =	vst v63  }
0x22: {  	s28 =	simm.s32 $0x3880  }
0x23: {  	[tilespmem:s13], [sflag:$0x3] =	stream.indirect.gather [hbm4b:s3+s10], $0x10, s10, s10, $0xb8;
	[tilespmem:$0xB000] =	vst v63  }
0x24: {  	s14 =	simm.s32 $0x5;
	s5 =	simm.s32 $0x0;
	s6 =	simm.s32 $0x0  }
0x25: {  	[tilespmem:s15], [sflag:$0x4] =	stream.indirect.gather [hbm4b:s3+s10], $0x10, s28, s10, $0xb8;
	[tilespmem:$0xB000] =	vst v63  }
.LBB2_2:
0x26: {  	_ =	swait.ge [sflag:s16], $0x800  }
0x27: {  	s24 =	sadd.s32 $0xFFFFFFFD, s14;
	[sflag:s16] =	ssyncset.done $0x0  }
0x28: {  	p0 =	sge.u32 s24, s4;
	[sflag:s16] =	ssyncadd.s32 $0xFFFFF800  }
0x29: {  	p1 =	seq.s32 @!p0 s6, $0x0;
	_ =	swait.ge [sflag:s17], $0x800  }
0x2a: {  	p1 =	por p1, p0;
	s7 =	rddreg [dreg:$0x4];
	[sflag:s17] =	ssyncset.done $0x0  }
0x2b: {  	s9 =	rddreg [dreg:$0x3];
	[sflag:s17] =	ssyncadd.s32 $0xFFFFF800;
	s7 =	sadd.s32 s6, s7  }
0x2c: {  	[hbm4b:s7+s2] =	stream.linear.scatter [tilespmem:s12], [sflag:$0x9], $0x800, $0x38;
	[tilespmem:$0xB000] =	vst v63  }
0x2d: {  	s24 =	simm.s32 @!p1 $0xD;
	s9 =	sadd.s32 s6, s9  }
0x2e: {  	[hbm4b:s9+s2] =	stream.linear.scatter [tilespmem:s11], [sflag:$0xA], $0x800, $0x38;
	[tilespmem:$0xB000] =	vst v63  }
0x2f: {  	_ =	swait.ge @!p1 [sflag:s24], $0x800  }
0x30: {  	[sflag:s24] =	ssyncset.done @!p1 $0x0  }
0x31: {  	[sflag:s24] =	ssyncadd.s32 @!p1 $0xFFFFF800;
	s24 =	simm.s32 @!p1 $0xE  }
0x32: {  	_ =	swait.ge @!p1 [sflag:s24], $0x800  }
0x33: {  	[sflag:s24] =	ssyncset.done @!p1 $0x0  }
0x34: {  	[sflag:s24] =	ssyncadd.s32 @!p1 $0xFFFFF800;
	s24 =	sshra.s32 @!p0 s5, $0x2  }
0x35: {  	s26 =	simm.s32 @!p0 $0x80;
	s28 =	simm.s32 @!p0 $0x8000;
	s25 =	sadd.s32 @!p0 $0x100, s24  }
0x36: {  	[tilespmem:s28], [sflag:$0x5] =	stream.indirect.gather @!p0 [hbm4b:s3+s26], $0x10, s25, s26, $0xb8;
	[tilespmem:$0xB000] =	vst v63  }
0x37: {  	s24 =	sadd.s32 @!p0 $0x3900, s24;
	s25 =	simm.s32 @!p0 $0xA000  }
0x38: {  	[tilespmem:s25], [sflag:$0x6] =	stream.indirect.gather @!p0 [hbm4b:s3+s26], $0x10, s24, s26, $0xb8;
	[tilespmem:$0xB000] =	vst v63  }
0x39: {  	_ =	swait.ge [sflag:s18], $0x800  }
0x3a: {  	[sflag:s18] =	ssyncset.done $0x0  }
0x3b: {  	s28 =	sadd.s32 $0xFFFFFFFE, s14;
	[sflag:s18] =	ssyncadd.s32 $0xFFFFF800  }
0x3c: {  	p0 =	sge.u32 s28, s4;
	_ =	swait.ge [sflag:s19], $0x800  }
0x3d: {  	p1 =	seq.s32 @!p0 s6, $0x0;
	[sflag:s19] =	ssyncset.done $0x0  }
0x3e: {  	s25 =	sadd.s32 $0x100, s7;
	p1 =	por p1, p0;
	[sflag:s19] =	ssyncadd.s32 $0xFFFFF800  }
0x3f: {  	[hbm4b:s25+s2] =	stream.linear.scatter [tilespmem:s15], [sflag:$0xB], $0x800, $0x38;
	[tilespmem:$0xB000] =	vst v63  }
0x40: {  	s26 =	sadd.s32 $0x100, s9;
	s24 =	simm.s32 @!p1 $0xF  }
0x41: {  	[hbm4b:s26+s2] =	stream.linear.scatter [tilespmem:s13], [sflag:$0xC], $0x800, $0x38;
	[tilespmem:$0xB000] =	vst v63  }
0x42: {  	_ =	swait.ge @!p1 [sflag:s24], $0x800  }
0x43: {  	[sflag:s24] =	ssyncset.done @!p1 $0x0  }
0x44: {  	[sflag:s24] =	ssyncadd.s32 @!p1 $0xFFFFF800;
	s24 =	simm.s32 @!p1 $0x10  }
0x45: {  	_ =	swait.ge @!p1 [sflag:s24], $0x800  }
0x46: {  	[sflag:s24] =	ssyncset.done @!p1 $0x0  }
0x47: {  	[sflag:s24] =	ssyncadd.s32 @!p1 $0xFFFFF800;
	s24 =	sshra.s32 @!p0 s5, $0x2  }
0x48: {  	s28 =	simm.s32 @!p0 $0x8800;
	s26 =	simm.s32 @!p0 $0x80;
	s25 =	sadd.s32 @!p0 $0x180, s24  }
0x49: {  	[tilespmem:s28], [sflag:$0x7] =	stream.indirect.gather @!p0 [hbm4b:s3+s26], $0x10, s25, s26, $0xb8;
	[tilespmem:$0xB000] =	vst v63  }
0x4a: {  	s24 =	sadd.s32 @!p0 $0x3980, s24;
	s25 =	simm.s32 @!p0 $0xA800  }
0x4b: {  	[tilespmem:s25], [sflag:$0x8] =	stream.indirect.gather @!p0 [hbm4b:s3+s26], $0x10, s24, s26, $0xb8;
	[tilespmem:$0xB000] =	vst v63  }
0x4c: {  	_ =	swait.ge [sflag:s20], $0x800  }
0x4d: {  	[sflag:s20] =	ssyncset.done $0x0  }
0x4e: {  	[sflag:s20] =	ssyncadd.s32 $0xFFFFF800  }
0x4f: {  	_ =	swait.ge [sflag:s21], $0x800  }
0x50: {  	[sflag:s21] =	ssyncset.done $0x0  }
0x51: {  	s28 =	sadd.s32 $0x200, s7;
	s25 =	rddreg [dreg:$0x5];
	[sflag:s21] =	ssyncadd.s32 $0xFFFFF800  }
0x52: {  	[hbm4b:s28+s2] =	stream.linear.scatter [tilespmem:s25], [sflag:$0xD], $0x800, $0x38;
	[tilespmem:$0xB000] =	vst v63  }
0x53: {  	s25 =	sadd.s32 $0xFFFFFFFF, s14  }
0x54: {  	s26 =	rddreg [dreg:$0x6];
	s28 =	sadd.s32 $0x200, s9;
	p0 =	sge.u32 s25, s4  }
0x55: {  	[hbm4b:s28+s2] =	stream.linear.scatter [tilespmem:s26], [sflag:$0xE], $0x800, $0x38;
	[tilespmem:$0xB000] =	vst v63  }
0x56: {  	s24 =	simm.s32 @!p0 $0x9  }
0x57: {  	_ =	swait.ge @!p0 [sflag:s24], $0x800  }
0x58: {  	[sflag:s24] =	ssyncset.done @!p0 $0x0  }
0x59: {  	[sflag:s24] =	ssyncadd.s32 @!p0 $0xFFFFF800;
	s24 =	simm.s32 @!p0 $0xA  }
0x5a: {  	_ =	swait.ge @!p0 [sflag:s24], $0x800  }
0x5b: {  	[sflag:s24] =	ssyncset.done @!p0 $0x0  }
0x5c: {  	[sflag:s24] =	ssyncadd.s32 @!p0 $0xFFFFF800;
	s24 =	sshra.s32 @!p0 s5, $0x2  }
0x5d: {  	s26 =	simm.s32 @!p0 $0x80;
	s28 =	simm.s32 @!p0 $0x7000;
	s25 =	sadd.s32 @!p0 $0x200, s24  }
0x5e: {  	[tilespmem:s28], [sflag:$0x1] =	stream.indirect.gather @!p0 [hbm4b:s3+s26], $0x10, s25, s26, $0xb8;
	[tilespmem:$0xB000] =	vst v63  }
0x5f: {  	s24 =	sadd.s32 @!p0 $0x3A00, s24;
	s25 =	simm.s32 @!p0 $0x9000  }
0x60: {  	[tilespmem:s25], [sflag:$0x2] =	stream.indirect.gather @!p0 [hbm4b:s3+s26], $0x10, s24, s26, $0xb8;
	[tilespmem:$0xB000] =	vst v63  }
0x61: {  	_ =	swait.ge [sflag:s22], $0x800  }
0x62: {  	[sflag:s22] =	ssyncset.done $0x0  }
0x63: {  	[sflag:s22] =	ssyncadd.s32 $0xFFFFF800  }
0x64: {  	_ =	swait.ge [sflag:s23], $0x800  }
0x65: {  	s7 =	sadd.s32 $0x300, s7;
	[sflag:s23] =	ssyncset.done $0x0  }
0x66: {  	p0 =	sge.u32 s14, s4;
	s26 =	rddreg [dreg:$0x7];
	[sflag:s23] =	ssyncadd.s32 $0xFFFFF800  }
0x67: {  	[hbm4b:s7+s2] =	stream.linear.scatter [tilespmem:s26], [sflag:$0xF], $0x800, $0x38;
	[tilespmem:$0xB000] =	vst v63  }
0x68: {  	s28 =	rddreg [dreg:$0x8];
	s26 =	sadd.s32 $0x300, s9;
	s7 =	simm.s32 @!p0 $0xB  }
0x69: {  	[hbm4b:s26+s2] =	stream.linear.scatter [tilespmem:s28], [sflag:$0x10], $0x800, $0x38;
	[tilespmem:$0xB000] =	vst v63  }
0x6a: {  	_ =	swait.ge @!p0 [sflag:s7], $0x800  }
0x6b: {  	[sflag:s7] =	ssyncset.done @!p0 $0x0  }
0x6c: {  	[sflag:s7] =	ssyncadd.s32 @!p0 $0xFFFFF800;
	s7 =	simm.s32 @!p0 $0xC  }
0x6d: {  	_ =	swait.ge @!p0 [sflag:s7], $0x800  }
0x6e: {  	[sflag:s7] =	ssyncset.done @!p0 $0x0  }
0x6f: {  	s6 =	sadd.s32 $0x400, s6;
	[sflag:s7] =	ssyncadd.s32 @!p0 $0xFFFFF800;
	s7 =	sshra.s32 @!p0 s5, $0x2  }
0x70: {  	s24 =	simm.s32 @!p0 $0x80;
	s25 =	simm.s32 @!p0 $0x7800;
	s9 =	sadd.s32 @!p0 $0x280, s7  }
0x71: {  	[tilespmem:s25], [sflag:$0x3] =	stream.indirect.gather @!p0 [hbm4b:s3+s24], $0x10, s9, s24, $0xb8;
	[tilespmem:$0xB000] =	vst v63  }
0x72: {  	s28 =	rddreg [dreg:$0x2];
	s7 =	sadd.s32 @!p0 $0x3A80, s7;
	s9 =	simm.s32 @!p0 $0x9800  }
0x73: {  	[tilespmem:s9], [sflag:$0x4] =	stream.indirect.gather @!p0 [hbm4b:s3+s24], $0x10, s7, s24, $0xb8;
	[tilespmem:$0xB000] =	vst v63  }
0x74: {  	p0 =	sne.s32 s28, s6  }
.Ltmp0:
0x75: {  	_ = 	snop;
	(pc) =	sbr.rel @p0 .LBB2_2-.Ltmp0, $2  }
0x76: {  	_ =	sdelay $0x2  }
0x77: {  	s14 =	sadd.s32 $0x4, s14;
	s5 =	sadd.s32 $0x800, s5  }
0x78: {  	s5 =	simm.s32 $0x9  }
0x79: {  	_ =	swait.ge [sflag:s5], $0x800  }
0x7a: {  	[sflag:s5] =	ssyncset.done $0x0  }
0x7b: {  	s24 =	simm.s32 $0xA;
	[sflag:s5] =	ssyncadd.s32 $0xFFFFF800  }
0x7c: {  	_ =	swait.ge [sflag:s24], $0x800  }
0x7d: {  	[sflag:s24] =	ssyncset.done $0x0  }
0x7e: {  	s25 =	simm.s32 $0xB;
	[sflag:s24] =	ssyncadd.s32 $0xFFFFF800  }
0x7f: {  	_ =	swait.ge [sflag:s25], $0x800  }
0x80: {  	[sflag:s25] =	ssyncset.done $0x0  }
0x81: {  	s26 =	simm.s32 $0xC;
	[sflag:s25] =	ssyncadd.s32 $0xFFFFF800  }
0x82: {  	_ =	swait.ge [sflag:s26], $0x800  }
0x83: {  	[sflag:s26] =	ssyncset.done $0x0  }
0x84: {  	[sflag:s26] =	ssyncadd.s32 $0xFFFFF800  }
0x85: {  	_ =	swait.ge [sflag:s29], $0x800  }
0x86: {  	[sflag:s29] =	ssyncset.done $0x0  }
0x87: {  	[sflag:s29] =	ssyncadd.s32 $0xFFFFF800  }
0x88: {  	_ =	swait.ge [sflag:s30], $0x800  }
0x89: {  	[sflag:s30] =	ssyncset.done $0x0  }
0x8a: {  	[sflag:s30] =	ssyncadd.s32 $0xFFFFF800  }
0x8b: {  	_ =	swait.ge [sflag:s31], $0x800  }
0x8c: {  	[sflag:s31] =	ssyncset.done $0x0  }
0x8d: {  	[sflag:s31] =	ssyncadd.s32 $0xFFFFF800  }
0x8e: {  	_ =	swait.ge [sflag:s1], $0x800  }
0x8f: {  	s0 =	sadd.s32 $0x1, s0;
	s28 =	rddreg [dreg:$0xb]  }
0x90: {  	p0 =	sne.s32 s0, s28  }
.Ltmp1:
0x91: {  	_ = 	snop;
	(pc) =	sbr.rel @p0 .LBB2_1-.Ltmp1, $3  }
0x92: {  	_ =	sdelay $0x1  }
0x93: {  	[sflag:s1] =	ssyncset.done $0x0  }
0x94: {  	[sflag:s1] =	ssyncadd.s32 $0xFFFFF800  }
0x95: {  	_ =	sfence.sel $0x180000  }
0x96: {  	[bflag:$0x0] =	sbarrier.arrive $0xFFFF  }
0x97: {  	_ =	strace $0x90000047  }
0x98: {  	s0 =	stileid.u32;
	[bflag:$0x2] =	sbarrier.arrive $0xFFFF  }
0x99: {  	p0 =	sne.s32 s0, $0x0;
	s0 =	rddreg [dreg:$0x1]  }
0x9a: {  	s0 =	sadd.s32 @!p0 $0x100000, s0  }
0x9b: {  	[sflag:s0] =	ssyncadd.tile.s32 @!p0 $0x1;
	_ =	shalt  }
.Lfunc_end2:
_tile_overlayer_lowered:
.L_overlay_start_2:
0x9c: {  	(tag) =	ssettag $0x2  }
0x9d: {  	s0 =	rddreg [dreg:$0x0];
	s2 =	stileid.u32  }
0x9e: {  	s1 =	rddreg [dreg:$0x1];
	p0 =	sne.s32 s2, $0x0  }
0x9f: {  	s3 =	rddreg [dreg:$0x2];
	[bflag:$0x3] =	sbarrier.arrive $0xFFFF;
	s2 =	simm.s32 @!p0 $0x1C11  }
0xa0: {  	[timem:s3], [sflag:s2] =	dma.local @!p0 [hbm:s0], s1  }
0xa1: {  	s0 =	simm.s32 @!p0 $0x11  }
0xa2: {  	_ =	swait.ge @!p0 [sflag:s0], s1  }
0xa3: {  	s1 =	ssub.s32 @!p0 $0x0, s1;
	[sflag:s0] =	ssyncset.done @!p0 $0x0  }
0xa4: {  	[sflag:s0] =	ssyncadd.s32 @!p0 s1  }
0xa5: {  	[bflag:$0x3] =	sbarrier.arrive $0xFFFF  }
0xa6: {  	_ =	shalt  }

</sc_bundles>
